<compile_context>
chip_gen: v7x
topology: tpu7x:2x2x1
jax: 0.10.2.dev20260603
libtpu: 0.0.44.dev20260713+nightly
codegen_flags: <defaults>
</compile_context>

<pallas_src>
import functools

import jax
import jax.numpy as jnp
from jax import lax
from jax.experimental import pallas as pl
from jax.experimental.pallas import tpu as pltpu
from jax.experimental.pallas import tpu_sc as plsc

_EPS = 0.1
_K = 10
_LN = 128



def _pack_body(nm_ref, out_ref):
    acc = nm_ref[:, 0:_LN]
    for k in range(1, 32):
        acc = acc | (nm_ref[:, k * _LN:(k + 1) * _LN] << k)
    out_ref[...] = acc


def _pack(nearest_map):
    n_cls = nearest_map.shape[1]
    rv = 512
    return pl.pallas_call(
        _pack_body,
        grid=(nearest_map.shape[0] // rv,),
        in_specs=[pl.BlockSpec((rv, n_cls), lambda i: (i, 0))],
        out_specs=pl.BlockSpec((rv, _LN), lambda i: (i, 0)),
        out_shape=jax.ShapeDtypeStruct((nearest_map.shape[0], _LN), jnp.int32),
        compiler_params=pltpu.CompilerParams(
            dimension_semantics=("parallel",),
        ),
    )(nearest_map)



def _make_sc_gather(n_rows):
    info = plsc.get_sparse_core_info()
    nw = info.num_cores * info.num_subcores
    b_per_w = n_rows // nw
    chunk = 128
    n_chunks = b_per_w // chunk
    mesh = plsc.VectorSubcoreMesh(core_axis_name="c", subcore_axis_name="s")

    @functools.partial(
        pl.kernel, mesh=mesh,
        out_type=jax.ShapeDtypeStruct((n_rows, _LN), jnp.int32),
        scratch_types=[
            pltpu.VMEM((chunk,), jnp.int32),
            pltpu.VMEM((chunk, _LN), jnp.int32),
            pltpu.SemaphoreType.DMA,
        ],
    )
    def sc_gather(packed_hbm, t_hbm, out_hbm, idx_v, rows_v, sem):
        wid = lax.axis_index("s") * info.num_cores + lax.axis_index("c")
        base = wid * b_per_w

        def body(ci, carry):
            off = base + ci * chunk
            pltpu.sync_copy(t_hbm.at[pl.ds(off, chunk)], idx_v)
            pltpu.async_copy(packed_hbm.at[idx_v], rows_v, sem).wait()
            pltpu.sync_copy(rows_v, out_hbm.at[pl.ds(off, chunk)])
            return carry

        lax.fori_loop(0, n_chunks, body, 0)

    return sc_gather



def _block_body(x_ref, t2_ref, gp_ref, out_ref, *, rows, n_cls):
    x = x_ref[...]
    gp = gp_ref[...]
    tv = t2_ref[0]

    m = jnp.max(x, axis=1, keepdims=True)

    col = jax.lax.broadcasted_iota(jnp.int32, (rows, n_cls), 1)
    mask = col == tv

    xt = jnp.sum(jnp.where(mask, x, 0.0), axis=1, keepdims=True)

    thi = tv >> 7
    tlo = tv & (_LN - 1)
    colw = jax.lax.broadcasted_iota(jnp.int32, (rows, _LN), 1)
    wsel = jnp.sum(jnp.where(colw == tlo, gp, 0), axis=1, keepdims=True)
    gt = ((wsel >> thi) & 1).astype(jnp.float32)

    s_acc = jnp.zeros((rows, _LN), jnp.float32)
    dot_acc = jnp.zeros((rows, _LN), jnp.float32)
    for k in range(32):
        xk = x[:, k * _LN:(k + 1) * _LN]
        s_acc = s_acc + jnp.exp(xk - m)
        sel = (gp << (31 - k)) < 0
        dot_acc = dot_acc + jnp.where(sel, xk, 0.0)
    lse = m + jnp.log(jnp.sum(s_acc, axis=1, keepdims=True))
    dot = jnp.sum(dot_acc, axis=1, keepdims=True)
    cnt = jnp.sum(jax.lax.population_count(gp), axis=1,
                  keepdims=True).astype(jnp.float32)

    a = 1.0 - _EPS + _EPS / _K
    b = 2.0 * _EPS / _K
    c = _EPS / _K
    rowloss = -(a - b * gt) * (xt - lse) - c * (dot - cnt * lse)
    block_sum = jnp.sum(rowloss)

    @pl.when(pl.program_id(0) == 0)
    def _():
        out_ref[...] = jnp.zeros_like(out_ref)

    out_ref[...] = out_ref[...] + block_sum


def kernel(inputs, targets, nearest_map):
    bsz, n_cls = inputs.shape
    rows = 1024 if bsz % 1024 == 0 else bsz
    nblk = bsz // rows

    t2 = targets.reshape(nblk, rows, 1)
    packed = _pack(nearest_map)
    gathered = _make_sc_gather(bsz)(packed, targets)

    total = pl.pallas_call(
        functools.partial(_block_body, rows=rows, n_cls=n_cls),
        grid=(nblk,),
        in_specs=[
            pl.BlockSpec((rows, n_cls), lambda i: (i, 0)),
            pl.BlockSpec((1, rows, 1), lambda i: (i, 0, 0)),
            pl.BlockSpec((rows, _LN), lambda i: (i, 0)),
        ],
        out_specs=pl.BlockSpec((1, 1), lambda i: (0, 0)),
        out_shape=jax.ShapeDtypeStruct((1, 1), jnp.float32),
        compiler_params=pltpu.CompilerParams(
            dimension_semantics=("arbitrary",),
            vmem_limit_bytes=100 * 1024 * 1024,
        ),
    )(inputs, t2, gathered)

    return total[0, 0] * (1.0 / bsz)

# --- scband reference (transcript-rebuilt; emitter-appended) ---
"""Pipeline reference for scband-cross-entropy-label-smooth-k-15410342658736 (READ-ONLY COPY).

The authoritative reference and input builder live on the scoring server;
editing this copy changes nothing except your own understanding.
"""

import jax, jax.numpy as jnp
import numpy as np

B = 16384
C = 4096
K = 10
EPS = 0.1


def setup_inputs(seed: int = 0) -> dict:
    key = jax.random.key(seed)
    k1, k2, k3 = jax.random.split(key, 3)
    inputs = jax.random.normal(k1, (B, C), dtype=jnp.float32)
    targets = jax.random.randint(k2, (B,), 0, C, dtype=jnp.int32)
    # nearest_map is an __init__-time constant tensor: 0/1 membership of the
    # K-nearest-class neighborhood for each class (row-indexed by class id).
    nearest_map = jax.random.randint(k3, (C, C), 0, 2, dtype=jnp.int32)
    return {"inputs": inputs, "targets": targets, "nearest_map": nearest_map}


def reference(inputs, targets, nearest_map):
    log_probs = jax.nn.log_softmax(inputs, axis=1)
    # one-hot scatter: zeros_like(log_probs).scatter_(1, targets.unsqueeze(1), 1).int()
    s_targets = jnp.zeros((inputs.shape[0], inputs.shape[1]), dtype=jnp.int32)
    s_targets = s_targets.at[jnp.arange(inputs.shape[0]), targets].set(1)
    # gather neighbor rows then XOR with the one-hot targets
    gathered = jnp.take(nearest_map, targets, axis=0)
    n_targets = jnp.bitwise_xor(s_targets, gathered)
    smoothed = (1.0 - EPS) * s_targets.astype(jnp.float32) + (EPS / K) * n_targets.astype(jnp.float32)
    loss = (-smoothed * log_probs).mean(0).sum()
    return loss

if __name__ == "__main__":
    import jax
    _d = setup_inputs()
    print(jax.jit(kernel)(*tuple(_d.values())))

</pallas_src>

<mosaic_0001>
#map = affine_map<(d0, d1) -> (0, 0)>
#map1 = affine_map<(d0, d1) -> (0)>
module attributes {stable_mosaic.version = 14 : i64} {
  func.func @sc_gather(%arg0: i32, %arg1: i32, %arg2: memref<4096x128xi32, #tpu.memory_space<hbm>>, %arg3: memref<16384xi32, #tpu.memory_space<hbm>>, %arg4: memref<16384x128xi32, #tpu.memory_space<hbm>>, %arg5: memref<128xi32, #tpu.memory_space<vmem>>, %arg6: memref<128x128xi32, #tpu.memory_space<vmem>>, %arg7: memref<!tpu.dma_semaphore, #tpu.memory_space<semaphore_mem>>) attributes {dimension_semantics = [#tpu.dimension_semantics<core_parallel>, #tpu.dimension_semantics<subcore_parallel>], iteration_bounds = array<i64: 2, 16>, scalar_prefetch = 0 : i64, scratch_operands = 3 : i64, tpu.core_type = #tpu.core_type<sc_vector_subcore>, window_params = [{transform_indices = #map}, {transform_indices = #map1}, {transform_indices = #map}]} {
    %mul3A = arith.constant 2 : i32
    %mul3A_0 = arith.muli %arg1, %mul3A : i32
    %add3A = arith.addi %mul3A_0, %arg0 : i32
    %mul3A_1 = arith.constant 512 : i32
    %mul3A_2 = arith.muli %add3A, %mul3A_1 : i32
    %scan3A = arith.constant 0 : i32
    %scan3A_3 = arith.constant 0 : i32
    %scan3A_4 = arith.constant 4 : i32
    %scan3A_5 = arith.addi %scan3A_3, %scan3A_4 : i32
    %scan3A_6 = arith.constant 1 : i32
    scf.for %scan3A_8 = %scan3A_3 to %scan3A_5 step %scan3A_6  : i32 {
      %mul3A_9 = arith.constant 128 : i32
      %mul3A_10 = arith.muli %scan3A_8, %mul3A_9 : i32
      %add3A_11 = arith.addi %mul3A_2, %mul3A_10 : i32
      "tpu.region"() ({
        %run_scoped3A = tpu.sem_alloc : memref<!tpu.dma_semaphore, #tpu.memory_space<semaphore_mem>>
        %dma_start3A_16 = tpu.memref_slice %arg3[%add3A_11] : memref<16384xi32, #tpu.memory_space<hbm>> -> memref<128xi32, #tpu.memory_space<hbm>>
        %dma_start3A_17 = tpu.memref_slice %arg3[%add3A_11] : memref<16384xi32, #tpu.memory_space<hbm>> -> memref<128xi32, #tpu.memory_space<hbm>>
        tpu.enqueue_dma source(%dma_start3A_17 : memref<128xi32, #tpu.memory_space<hbm>>) target(%arg5 : memref<128xi32, #tpu.memory_space<vmem>>) target_semaphore(%run_scoped3A : memref<!tpu.dma_semaphore, #tpu.memory_space<semaphore_mem>>)
        %dma_wait3A_18 = tpu.memref_slice %arg3[%add3A_11] : memref<16384xi32, #tpu.memory_space<hbm>> -> memref<128xi32, #tpu.memory_space<hbm>>
        %dma_wait3A_19 = tpu.memref_slice %arg3[%add3A_11] : memref<16384xi32, #tpu.memory_space<hbm>> -> memref<128xi32, #tpu.memory_space<hbm>>
        tpu.wait_dma2 semaphore(%run_scoped3A : memref<!tpu.dma_semaphore, #tpu.memory_space<semaphore_mem>>) src(%dma_wait3A_19 : memref<128xi32, #tpu.memory_space<hbm>>) dst(%arg5 : memref<128xi32, #tpu.memory_space<vmem>>)
        tpu.yield
      }) : () -> ()
      %dma_start3A = arith.constant 0 : i32
      %dma_start3A_12 = arith.constant 0 : i32
      %dma_start3A_13 = tpu.memref_slice %arg2[%dma_start3A, %dma_start3A_12] : memref<4096x128xi32, #tpu.memory_space<hbm>> -> memref<4096x128xi32, #tpu.memory_space<hbm>>
      tpu.enqueue_indirect_dma source(%dma_start3A_13 : memref<4096x128xi32, #tpu.memory_space<hbm>>) target(%arg6 : memref<128x128xi32, #tpu.memory_space<vmem>>) offsets(%arg5 : memref<128xi32, #tpu.memory_space<vmem>>) semaphore(%arg7 : memref<!tpu.dma_semaphore, #tpu.memory_space<semaphore_mem>>)
      %dma_wait3A = arith.constant 0 : i32
      %dma_wait3A_14 = arith.constant 0 : i32
      %dma_wait3A_15 = tpu.memref_slice %arg2[%dma_wait3A, %dma_wait3A_14] : memref<4096x128xi32, #tpu.memory_space<hbm>> -> memref<4096x128xi32, #tpu.memory_space<hbm>>
      tpu.wait_indirect_dma semaphore(%arg7 : memref<!tpu.dma_semaphore, #tpu.memory_space<semaphore_mem>>) src(%dma_wait3A_15 : memref<4096x128xi32, #tpu.memory_space<hbm>>) dst(%arg6 : memref<128x128xi32, #tpu.memory_space<vmem>>)
      "tpu.region"() ({
        %run_scoped3A = tpu.sem_alloc : memref<!tpu.dma_semaphore, #tpu.memory_space<semaphore_mem>>
        %dma_start3A_16 = arith.constant 0 : i32
        %dma_start3A_17 = tpu.memref_slice %arg4[%add3A_11, %dma_start3A_16] : memref<16384x128xi32, #tpu.memory_space<hbm>> -> memref<128x128xi32, #tpu.memory_space<hbm>>
        %dma_start3A_18 = arith.constant 0 : i32
        %dma_start3A_19 = tpu.memref_slice %arg4[%add3A_11, %dma_start3A_18] : memref<16384x128xi32, #tpu.memory_space<hbm>> -> memref<128x128xi32, #tpu.memory_space<hbm>>
        tpu.enqueue_dma source(%arg6 : memref<128x128xi32, #tpu.memory_space<vmem>>) target(%dma_start3A_19 : memref<128x128xi32, #tpu.memory_space<hbm>>) target_semaphore(%run_scoped3A : memref<!tpu.dma_semaphore, #tpu.memory_space<semaphore_mem>>)
        %dma_wait3A_20 = arith.constant 0 : i32
        %dma_wait3A_21 = tpu.memref_slice %arg4[%add3A_11, %dma_wait3A_20] : memref<16384x128xi32, #tpu.memory_space<hbm>> -> memref<128x128xi32, #tpu.memory_space<hbm>>
        %dma_wait3A_22 = arith.constant 0 : i32
        %dma_wait3A_23 = tpu.memref_slice %arg4[%add3A_11, %dma_wait3A_22] : memref<16384x128xi32, #tpu.memory_space<hbm>> -> memref<128x128xi32, #tpu.memory_space<hbm>>
        tpu.wait_dma2 semaphore(%run_scoped3A : memref<!tpu.dma_semaphore, #tpu.memory_space<semaphore_mem>>) src(%arg6 : memref<128x128xi32, #tpu.memory_space<vmem>>) dst(%dma_wait3A_23 : memref<128x128xi32, #tpu.memory_space<hbm>>)
        tpu.yield
      }) : () -> ()
    }
    %scan3A_7 = arith.constant 4 : i32
    return
  }
}

module attributes {stable_mosaic.version = 14 : i64} {
  func.func @_pack_body(%arg0: i32, %arg1: memref<512x4096xi32, #tpu.memory_space<vmem>>, %arg2: memref<512x128xi32, #tpu.memory_space<vmem>>) attributes {dimension_semantics = [#tpu.dimension_semantics<parallel>], iteration_bounds = array<i64: 8>, scalar_prefetch = 0 : i64, scratch_operands = 0 : i64, tpu.core_type = #tpu.core_type<tc>, window_params = [{transform_indices = @transform_0, window_bounds = array<i64: 512, 4096>}, {transform_indices = @transform_1, window_bounds = array<i64: 512, 128>}]} {
    %get3A = arith.constant 0 : index
    %get3A_0 = arith.constant 0 : index
    %get3A_1 = vector.load %arg1[%get3A, %get3A_0] : memref<512x4096xi32, #tpu.memory_space<vmem>>, vector<512x128xi32>
    %get3A_2 = arith.constant 0 : index
    %get3A_3 = arith.constant 128 : index
    %get3A_4 = vector.load %arg1[%get3A_2, %get3A_3] : memref<512x4096xi32, #tpu.memory_space<vmem>>, vector<512x128xi32>
    %shift_left3A = arith.constant 1 : i32
    %shift_left3A_5 = vector.broadcast %shift_left3A : i32 to vector<512x128xi32>
    %shift_left3A_6 = arith.shli %get3A_4, %shift_left3A_5 : vector<512x128xi32>
    %or3A = arith.ori %get3A_1, %shift_left3A_6 : vector<512x128xi32>
    %get3A_7 = arith.constant 0 : index
    %get3A_8 = arith.constant 256 : index
    %get3A_9 = vector.load %arg1[%get3A_7, %get3A_8] : memref<512x4096xi32, #tpu.memory_space<vmem>>, vector<512x128xi32>
    %shift_left3A_10 = arith.constant 2 : i32
    %shift_left3A_11 = vector.broadcast %shift_left3A_10 : i32 to vector<512x128xi32>
    %shift_left3A_12 = arith.shli %get3A_9, %shift_left3A_11 : vector<512x128xi32>
    %or3A_13 = arith.ori %or3A, %shift_left3A_12 : vector<512x128xi32>
    %get3A_14 = arith.constant 0 : index
    %get3A_15 = arith.constant 384 : index
    %get3A_16 = vector.load %arg1[%get3A_14, %get3A_15] : memref<512x4096xi32, #tpu.memory_space<vmem>>, vector<512x128xi32>
    %shift_left3A_17 = arith.constant 3 : i32
    %shift_left3A_18 = vector.broadcast %shift_left3A_17 : i32 to vector<512x128xi32>
    %shift_left3A_19 = arith.shli %get3A_16, %shift_left3A_18 : vector<512x128xi32>
    %or3A_20 = arith.ori %or3A_13, %shift_left3A_19 : vector<512x128xi32>
    %get3A_21 = arith.constant 0 : index
    %get3A_22 = arith.constant 512 : index
    %get3A_23 = vector.load %arg1[%get3A_21, %get3A_22] : memref<512x4096xi32, #tpu.memory_space<vmem>>, vector<512x128xi32>
    %shift_left3A_24 = arith.constant 4 : i32
    %shift_left3A_25 = vector.broadcast %shift_left3A_24 : i32 to vector<512x128xi32>
    %shift_left3A_26 = arith.shli %get3A_23, %shift_left3A_25 : vector<512x128xi32>
    %or3A_27 = arith.ori %or3A_20, %shift_left3A_26 : vector<512x128xi32>
    %get3A_28 = arith.constant 0 : index
    %get3A_29 = arith.constant 640 : index
    %get3A_30 = vector.load %arg1[%get3A_28, %get3A_29] : memref<512x4096xi32, #tpu.memory_space<vmem>>, vector<512x128xi32>
    %shift_left3A_31 = arith.constant 5 : i32
    %shift_left3A_32 = vector.broadcast %shift_left3A_31 : i32 to vector<512x128xi32>
    %shift_left3A_33 = arith.shli %get3A_30, %shift_left3A_32 : vector<512x128xi32>
    %or3A_34 = arith.ori %or3A_27, %shift_left3A_33 : vector<512x128xi32>
    %get3A_35 = arith.constant 0 : index
    %get3A_36 = arith.constant 768 : index
    %get3A_37 = vector.load %arg1[%get3A_35, %get3A_36] : memref<512x4096xi32, #tpu.memory_space<vmem>>, vector<512x128xi32>
    %shift_left3A_38 = arith.constant 6 : i32
    %shift_left3A_39 = vector.broadcast %shift_left3A_38 : i32 to vector<512x128xi32>
    %shift_left3A_40 = arith.shli %get3A_37, %shift_left3A_39 : vector<512x128xi32>
    %or3A_41 = arith.ori %or3A_34, %shift_left3A_40 : vector<512x128xi32>
    %get3A_42 = arith.constant 0 : index
    %get3A_43 = arith.constant 896 : index
    %get3A_44 = vector.load %arg1[%get3A_42, %get3A_43] : memref<512x4096xi32, #tpu.memory_space<vmem>>, vector<512x128xi32>
    %shift_left3A_45 = arith.constant 7 : i32
    %shift_left3A_46 = vector.broadcast %shift_left3A_45 : i32 to vector<512x128xi32>
    %shift_left3A_47 = arith.shli %get3A_44, %shift_left3A_46 : vector<512x128xi32>
    %or3A_48 = arith.ori %or3A_41, %shift_left3A_47 : vector<512x128xi32>
    %get3A_49 = arith.constant 0 : index
    %get3A_50 = arith.constant 1024 : index
    %get3A_51 = vector.load %arg1[%get3A_49, %get3A_50] : memref<512x4096xi32, #tpu.memory_space<vmem>>, vector<512x128xi32>
    %shift_left3A_52 = arith.constant 8 : i32
    %shift_left3A_53 = vector.broadcast %shift_left3A_52 : i32 to vector<512x128xi32>
    %shift_left3A_54 = arith.shli %get3A_51, %shift_left3A_53 : vector<512x128xi32>
    %or3A_55 = arith.ori %or3A_48, %shift_left3A_54 : vector<512x128xi32>
    %get3A_56 = arith.constant 0 : index
    %get3A_57 = arith.constant 1152 : index
    %get3A_58 = vector.load %arg1[%get3A_56, %get3A_57] : memref<512x4096xi32, #tpu.memory_space<vmem>>, vector<512x128xi32>
    %shift_left3A_59 = arith.constant 9 : i32
    %shift_left3A_60 = vector.broadcast %shift_left3A_59 : i32 to vector<512x128xi32>
    %shift_left3A_61 = arith.shli %get3A_58, %shift_left3A_60 : vector<512x128xi32>
    %or3A_62 = arith.ori %or3A_55, %shift_left3A_61 : vector<512x128xi32>
    %get3A_63 = arith.constant 0 : index
    %get3A_64 = arith.constant 1280 : index
    %get3A_65 = vector.load %arg1[%get3A_63, %get3A_64] : memref<512x4096xi32, #tpu.memory_space<vmem>>, vector<512x128xi32>
    %shift_left3A_66 = arith.constant 10 : i32
    %shift_left3A_67 = vector.broadcast %shift_left3A_66 : i32 to vector<512x128xi32>
    %shift_left3A_68 = arith.shli %get3A_65, %shift_left3A_67 : vector<512x128xi32>
    %or3A_69 = arith.ori %or3A_62, %shift_left3A_68 : vector<512x128xi32>
    %get3A_70 = arith.constant 0 : index
    %get3A_71 = arith.constant 1408 : index
    %get3A_72 = vector.load %arg1[%get3A_70, %get3A_71] : memref<512x4096xi32, #tpu.memory_space<vmem>>, vector<512x128xi32>
    %shift_left3A_73 = arith.constant 11 : i32
    %shift_left3A_74 = vector.broadcast %shift_left3A_73 : i32 to vector<512x128xi32>
    %shift_left3A_75 = arith.shli %get3A_72, %shift_left3A_74 : vector<512x128xi32>
    %or3A_76 = arith.ori %or3A_69, %shift_left3A_75 : vector<512x128xi32>
    %get3A_77 = arith.constant 0 : index
    %get3A_78 = arith.constant 1536 : index
    %get3A_79 = vector.load %arg1[%get3A_77, %get3A_78] : memref<512x4096xi32, #tpu.memory_space<vmem>>, vector<512x128xi32>
    %shift_left3A_80 = arith.constant 12 : i32
    %shift_left3A_81 = vector.broadcast %shift_left3A_80 : i32 to vector<512x128xi32>
    %shift_left3A_82 = arith.shli %get3A_79, %shift_left3A_81 : vector<512x128xi32>
    %or3A_83 = arith.ori %or3A_76, %shift_left3A_82 : vector<512x128xi32>
    %get3A_84 = arith.constant 0 : index
    %get3A_85 = arith.constant 1664 : index
    %get3A_86 = vector.load %arg1[%get3A_84, %get3A_85] : memref<512x4096xi32, #tpu.memory_space<vmem>>, vector<512x128xi32>
    %shift_left3A_87 = arith.constant 13 : i32
    %shift_left3A_88 = vector.broadcast %shift_left3A_87 : i32 to vector<512x128xi32>
    %shift_left3A_89 = arith.shli %get3A_86, %shift_left3A_88 : vector<512x128xi32>
    %or3A_90 = arith.ori %or3A_83, %shift_left3A_89 : vector<512x128xi32>
    %get3A_91 = arith.constant 0 : index
    %get3A_92 = arith.constant 1792 : index
    %get3A_93 = vector.load %arg1[%get3A_91, %get3A_92] : memref<512x4096xi32, #tpu.memory_space<vmem>>, vector<512x128xi32>
    %shift_left3A_94 = arith.constant 14 : i32
    %shift_left3A_95 = vector.broadcast %shift_left3A_94 : i32 to vector<512x128xi32>
    %shift_left3A_96 = arith.shli %get3A_93, %shift_left3A_95 : vector<512x128xi32>
    %or3A_97 = arith.ori %or3A_90, %shift_left3A_96 : vector<512x128xi32>
    %get3A_98 = arith.constant 0 : index
    %get3A_99 = arith.constant 1920 : index
    %get3A_100 = vector.load %arg1[%get3A_98, %get3A_99] : memref<512x4096xi32, #tpu.memory_space<vmem>>, vector<512x128xi32>
    %shift_left3A_101 = arith.constant 15 : i32
    %shift_left3A_102 = vector.broadcast %shift_left3A_101 : i32 to vector<512x128xi32>
    %shift_left3A_103 = arith.shli %get3A_100, %shift_left3A_102 : vector<512x128xi32>
    %or3A_104 = arith.ori %or3A_97, %shift_left3A_103 : vector<512x128xi32>
    %get3A_105 = arith.constant 0 : index
    %get3A_106 = arith.constant 2048 : index
    %get3A_107 = vector.load %arg1[%get3A_105, %get3A_106] : memref<512x4096xi32, #tpu.memory_space<vmem>>, vector<512x128xi32>
    %shift_left3A_108 = arith.constant 16 : i32
    %shift_left3A_109 = vector.broadcast %shift_left3A_108 : i32 to vector<512x128xi32>
    %shift_left3A_110 = arith.shli %get3A_107, %shift_left3A_109 : vector<512x128xi32>
    %or3A_111 = arith.ori %or3A_104, %shift_left3A_110 : vector<512x128xi32>
    %get3A_112 = arith.constant 0 : index
    %get3A_113 = arith.constant 2176 : index
    %get3A_114 = vector.load %arg1[%get3A_112, %get3A_113] : memref<512x4096xi32, #tpu.memory_space<vmem>>, vector<512x128xi32>
    %shift_left3A_115 = arith.constant 17 : i32
    %shift_left3A_116 = vector.broadcast %shift_left3A_115 : i32 to vector<512x128xi32>
    %shift_left3A_117 = arith.shli %get3A_114, %shift_left3A_116 : vector<512x128xi32>
    %or3A_118 = arith.ori %or3A_111, %shift_left3A_117 : vector<512x128xi32>
    %get3A_119 = arith.constant 0 : index
    %get3A_120 = arith.constant 2304 : index
    %get3A_121 = vector.load %arg1[%get3A_119, %get3A_120] : memref<512x4096xi32, #tpu.memory_space<vmem>>, vector<512x128xi32>
    %shift_left3A_122 = arith.constant 18 : i32
    %shift_left3A_123 = vector.broadcast %shift_left3A_122 : i32 to vector<512x128xi32>
    %shift_left3A_124 = arith.shli %get3A_121, %shift_left3A_123 : vector<512x128xi32>
    %or3A_125 = arith.ori %or3A_118, %shift_left3A_124 : vector<512x128xi32>
    %get3A_126 = arith.constant 0 : index
    %get3A_127 = arith.constant 2432 : index
    %get3A_128 = vector.load %arg1[%get3A_126, %get3A_127] : memref<512x4096xi32, #tpu.memory_space<vmem>>, vector<512x128xi32>
    %shift_left3A_129 = arith.constant 19 : i32
    %shift_left3A_130 = vector.broadcast %shift_left3A_129 : i32 to vector<512x128xi32>
    %shift_left3A_131 = arith.shli %get3A_128, %shift_left3A_130 : vector<512x128xi32>
    %or3A_132 = arith.ori %or3A_125, %shift_left3A_131 : vector<512x128xi32>
    %get3A_133 = arith.constant 0 : index
    %get3A_134 = arith.constant 2560 : index
    %get3A_135 = vector.load %arg1[%get3A_133, %get3A_134] : memref<512x4096xi32, #tpu.memory_space<vmem>>, vector<512x128xi32>
    %shift_left3A_136 = arith.constant 20 : i32
    %shift_left3A_137 = vector.broadcast %shift_left3A_136 : i32 to vector<512x128xi32>
    %shift_left3A_138 = arith.shli %get3A_135, %shift_left3A_137 : vector<512x128xi32>
    %or3A_139 = arith.ori %or3A_132, %shift_left3A_138 : vector<512x128xi32>
    %get3A_140 = arith.constant 0 : index
    %get3A_141 = arith.constant 2688 : index
    %get3A_142 = vector.load %arg1[%get3A_140, %get3A_141] : memref<512x4096xi32, #tpu.memory_space<vmem>>, vector<512x128xi32>
    %shift_left3A_143 = arith.constant 21 : i32
    %shift_left3A_144 = vector.broadcast %shift_left3A_143 : i32 to vector<512x128xi32>
    %shift_left3A_145 = arith.shli %get3A_142, %shift_left3A_144 : vector<512x128xi32>
    %or3A_146 = arith.ori %or3A_139, %shift_left3A_145 : vector<512x128xi32>
    %get3A_147 = arith.constant 0 : index
    %get3A_148 = arith.constant 2816 : index
    %get3A_149 = vector.load %arg1[%get3A_147, %get3A_148] : memref<512x4096xi32, #tpu.memory_space<vmem>>, vector<512x128xi32>
    %shift_left3A_150 = arith.constant 22 : i32
    %shift_left3A_151 = vector.broadcast %shift_left3A_150 : i32 to vector<512x128xi32>
    %shift_left3A_152 = arith.shli %get3A_149, %shift_left3A_151 : vector<512x128xi32>
    %or3A_153 = arith.ori %or3A_146, %shift_left3A_152 : vector<512x128xi32>
    %get3A_154 = arith.constant 0 : index
    %get3A_155 = arith.constant 2944 : index
    %get3A_156 = vector.load %arg1[%get3A_154, %get3A_155] : memref<512x4096xi32, #tpu.memory_space<vmem>>, vector<512x128xi32>
    %shift_left3A_157 = arith.constant 23 : i32
    %shift_left3A_158 = vector.broadcast %shift_left3A_157 : i32 to vector<512x128xi32>
    %shift_left3A_159 = arith.shli %get3A_156, %shift_left3A_158 : vector<512x128xi32>
    %or3A_160 = arith.ori %or3A_153, %shift_left3A_159 : vector<512x128xi32>
    %get3A_161 = arith.constant 0 : index
    %get3A_162 = arith.constant 3072 : index
    %get3A_163 = vector.load %arg1[%get3A_161, %get3A_162] : memref<512x4096xi32, #tpu.memory_space<vmem>>, vector<512x128xi32>
    %shift_left3A_164 = arith.constant 24 : i32
    %shift_left3A_165 = vector.broadcast %shift_left3A_164 : i32 to vector<512x128xi32>
    %shift_left3A_166 = arith.shli %get3A_163, %shift_left3A_165 : vector<512x128xi32>
    %or3A_167 = arith.ori %or3A_160, %shift_left3A_166 : vector<512x128xi32>
    %get3A_168 = arith.constant 0 : index
    %get3A_169 = arith.constant 3200 : index
    %get3A_170 = vector.load %arg1[%get3A_168, %get3A_169] : memref<512x4096xi32, #tpu.memory_space<vmem>>, vector<512x128xi32>
    %shift_left3A_171 = arith.constant 25 : i32
    %shift_left3A_172 = vector.broadcast %shift_left3A_171 : i32 to vector<512x128xi32>
    %shift_left3A_173 = arith.shli %get3A_170, %shift_left3A_172 : vector<512x128xi32>
    %or3A_174 = arith.ori %or3A_167, %shift_left3A_173 : vector<512x128xi32>
    %get3A_175 = arith.constant 0 : index
    %get3A_176 = arith.constant 3328 : index
    %get3A_177 = vector.load %arg1[%get3A_175, %get3A_176] : memref<512x4096xi32, #tpu.memory_space<vmem>>, vector<512x128xi32>
    %shift_left3A_178 = arith.constant 26 : i32
    %shift_left3A_179 = vector.broadcast %shift_left3A_178 : i32 to vector<512x128xi32>
    %shift_left3A_180 = arith.shli %get3A_177, %shift_left3A_179 : vector<512x128xi32>
    %or3A_181 = arith.ori %or3A_174, %shift_left3A_180 : vector<512x128xi32>
    %get3A_182 = arith.constant 0 : index
    %get3A_183 = arith.constant 3456 : index
    %get3A_184 = vector.load %arg1[%get3A_182, %get3A_183] : memref<512x4096xi32, #tpu.memory_space<vmem>>, vector<512x128xi32>
    %shift_left3A_185 = arith.constant 27 : i32
    %shift_left3A_186 = vector.broadcast %shift_left3A_185 : i32 to vector<512x128xi32>
    %shift_left3A_187 = arith.shli %get3A_184, %shift_left3A_186 : vector<512x128xi32>
    %or3A_188 = arith.ori %or3A_181, %shift_left3A_187 : vector<512x128xi32>
    %get3A_189 = arith.constant 0 : index
    %get3A_190 = arith.constant 3584 : index
    %get3A_191 = vector.load %arg1[%get3A_189, %get3A_190] : memref<512x4096xi32, #tpu.memory_space<vmem>>, vector<512x128xi32>
    %shift_left3A_192 = arith.constant 28 : i32
    %shift_left3A_193 = vector.broadcast %shift_left3A_192 : i32 to vector<512x128xi32>
    %shift_left3A_194 = arith.shli %get3A_191, %shift_left3A_193 : vector<512x128xi32>
    %or3A_195 = arith.ori %or3A_188, %shift_left3A_194 : vector<512x128xi32>
    %get3A_196 = arith.constant 0 : index
    %get3A_197 = arith.constant 3712 : index
    %get3A_198 = vector.load %arg1[%get3A_196, %get3A_197] : memref<512x4096xi32, #tpu.memory_space<vmem>>, vector<512x128xi32>
    %shift_left3A_199 = arith.constant 29 : i32
    %shift_left3A_200 = vector.broadcast %shift_left3A_199 : i32 to vector<512x128xi32>
    %shift_left3A_201 = arith.shli %get3A_198, %shift_left3A_200 : vector<512x128xi32>
    %or3A_202 = arith.ori %or3A_195, %shift_left3A_201 : vector<512x128xi32>
    %get3A_203 = arith.constant 0 : index
    %get3A_204 = arith.constant 3840 : index
    %get3A_205 = vector.load %arg1[%get3A_203, %get3A_204] : memref<512x4096xi32, #tpu.memory_space<vmem>>, vector<512x128xi32>
    %shift_left3A_206 = arith.constant 30 : i32
    %shift_left3A_207 = vector.broadcast %shift_left3A_206 : i32 to vector<512x128xi32>
    %shift_left3A_208 = arith.shli %get3A_205, %shift_left3A_207 : vector<512x128xi32>
    %or3A_209 = arith.ori %or3A_202, %shift_left3A_208 : vector<512x128xi32>
    %get3A_210 = arith.constant 0 : index
    %get3A_211 = arith.constant 3968 : index
    %get3A_212 = vector.load %arg1[%get3A_210, %get3A_211] : memref<512x4096xi32, #tpu.memory_space<vmem>>, vector<512x128xi32>
    %shift_left3A_213 = arith.constant 31 : i32
    %shift_left3A_214 = vector.broadcast %shift_left3A_213 : i32 to vector<512x128xi32>
    %shift_left3A_215 = arith.shli %get3A_212, %shift_left3A_214 : vector<512x128xi32>
    %or3A_216 = arith.ori %or3A_209, %shift_left3A_215 : vector<512x128xi32>
    %swap3A = arith.constant 0 : index
    %swap3A_217 = arith.constant 0 : index
    %swap3A_218 = vector.load %arg2[%swap3A, %swap3A_217] : memref<512x128xi32, #tpu.memory_space<vmem>>, vector<512x128xi32>
    tpu.vector_store %arg2[%swap3A, %swap3A_217], %or3A_216 {strides = array<i32>} : memref<512x128xi32, #tpu.memory_space<vmem>>, vector<512x128xi32>,
    return
  }
  func.func @transform_0(%arg0: i32) -> (i32, i32) {
    %c0_i32 = arith.constant 0 : i32
    %c0_i32_0 = arith.constant 0 : i32
    return %arg0, %c0_i32 : i32, i32
  }
  func.func @transform_1(%arg0: i32) -> (i32, i32) {
    %c0_i32 = arith.constant 0 : i32
    %c0_i32_0 = arith.constant 0 : i32
    return %arg0, %c0_i32 : i32, i32
  }
}

module attributes {stable_mosaic.version = 14 : i64} {
  func.func @_block_body(%arg0: i32, %arg1: memref<1024x4096xf32, #tpu.memory_space<vmem>>, %arg2: memref<1x1024x1xi32, #tpu.memory_space<vmem>>, %arg3: memref<1024x128xi32, #tpu.memory_space<vmem>>, %arg4: memref<1x1xf32, #tpu.memory_space<vmem>>) attributes {dimension_semantics = [#tpu.dimension_semantics<arbitrary>], iteration_bounds = array<i64: 16>, scalar_prefetch = 0 : i64, scratch_operands = 0 : i64, tpu.core_type = #tpu.core_type<tc>, window_params = [{transform_indices = @transform_0, window_bounds = array<i64: 1024, 4096>}, {transform_indices = @transform_1, window_bounds = array<i64: 1, 1024, 1>}, {transform_indices = @transform_2, window_bounds = array<i64: 1024, 128>}, {pipeline_mode = #tpu.pipeline_mode<synchronous>, transform_indices = @transform_3, window_bounds = array<i64: 1, 1>}]} {
    %get3A = arith.constant 0 : index
    %get3A_0 = arith.constant 0 : index
    %get3A_1 = vector.load %arg1[%get3A, %get3A_0] : memref<1024x4096xf32, #tpu.memory_space<vmem>>, vector<1024x4096xf32>
    %get3A_2 = arith.constant 0 : index
    %get3A_3 = arith.constant 0 : index
    %get3A_4 = vector.load %arg3[%get3A_2, %get3A_3] : memref<1024x128xi32, #tpu.memory_space<vmem>>, vector<1024x128xi32>
    %get3A_5 = arith.constant 0 : index
    %get3A_6 = arith.constant 0 : index
    %get3A_7 = arith.constant 0 : index
    %get3A_8 = vector.load %arg2[%get3A_5, %get3A_6, %get3A_7] : memref<1x1024x1xi32, #tpu.memory_space<vmem>>, vector<1x1024x1xi32>
    %get3A_9 = vector.shape_cast %get3A_8 : vector<1x1024x1xi32> to vector<1024x1xi32>
    %reduce_max3A = arith.constant dense<0xFF800000> : vector<1024xf32>
    %reduce_max3A_10 = vector.multi_reduction <maximumf>, %get3A_1, %reduce_max3A [1] : vector<1024x4096xf32> to vector<1024xf32>
    %broadcast_in_dim3A = vector.shape_cast %reduce_max3A_10 : vector<1024xf32> to vector<1024x1xf32>
    %iota3A = tpu.iota {dimensions = array<i32: 1>} : vector<1024x4096xi32>
    %eq3A = vector.broadcast %get3A_9 : vector<1024x1xi32> to vector<1024x4096xi32>
    %eq3A_11 = arith.cmpi eq, %iota3A, %eq3A : vector<1024x4096xi32>
    %jit3A = arith.constant 0.000000e+00 : f32
    %broadcast_in_dim3A_12 = vector.broadcast %jit3A : f32 to vector<1024x4096xf32>
    %select_n3A = arith.select %eq3A_11, %get3A_1, %broadcast_in_dim3A_12 : vector<1024x4096xi1>, vector<1024x4096xf32>
    %reduce_sum3A = arith.constant dense<0.000000e+00> : vector<1024xf32>
    %reduce_sum3A_13 = vector.multi_reduction <add>, %select_n3A, %reduce_sum3A [1] : vector<1024x4096xf32> to vector<1024xf32>
    %broadcast_in_dim3A_14 = vector.shape_cast %reduce_sum3A_13 : vector<1024xf32> to vector<1024x1xf32>
    %shift_right_arithmetic3A = arith.constant 7 : i32
    %shift_right_arithmetic3A_15 = vector.broadcast %shift_right_arithmetic3A : i32 to vector<1024x1xi32>
    %shift_right_arithmetic3A_16 = arith.shrsi %get3A_9, %shift_right_arithmetic3A_15 : vector<1024x1xi32>
    %and3A = arith.constant 127 : i32
    %and3A_17 = vector.broadcast %and3A : i32 to vector<1024x1xi32>
    %and3A_18 = arith.andi %get3A_9, %and3A_17 : vector<1024x1xi32>
    %iota3A_19 = tpu.iota {dimensions = array<i32: 1>} : vector<1024x128xi32>
    %eq3A_20 = vector.broadcast %and3A_18 : vector<1024x1xi32> to vector<1024x128xi32>
    %eq3A_21 = arith.cmpi eq, %iota3A_19, %eq3A_20 : vector<1024x128xi32>
    %jit3A_22 = arith.constant 0 : i32
    %broadcast_in_dim3A_23 = vector.broadcast %jit3A_22 : i32 to vector<1024x128xi32>
    %select_n3A_24 = arith.select %eq3A_21, %get3A_4, %broadcast_in_dim3A_23 : vector<1024x128xi1>, vector<1024x128xi32>
    %reduce_sum3A_25 = arith.constant dense<0> : vector<1024xi32>
    %reduce_sum3A_26 = vector.multi_reduction <add>, %select_n3A_24, %reduce_sum3A_25 [1] : vector<1024x128xi32> to vector<1024xi32>
    %broadcast_in_dim3A_27 = vector.shape_cast %reduce_sum3A_26 : vector<1024xi32> to vector<1024x1xi32>
    %shift_right_arithmetic3A_28 = arith.shrsi %broadcast_in_dim3A_27, %shift_right_arithmetic3A_16 : vector<1024x1xi32>
    %and3A_29 = arith.constant 1 : i32
    %and3A_30 = vector.broadcast %and3A_29 : i32 to vector<1024x1xi32>
    %and3A_31 = arith.andi %shift_right_arithmetic3A_28, %and3A_30 : vector<1024x1xi32>
    %convert_element_type3A = arith.sitofp %and3A_31 : vector<1024x1xi32> to vector<1024x1xf32>
    %broadcast_in_dim3A_32 = arith.constant 0.000000e+00 : f32
    %broadcast_in_dim3A_33 = vector.broadcast %broadcast_in_dim3A_32 : f32 to vector<1024x128xf32>
    %broadcast_in_dim3A_34 = arith.constant 0.000000e+00 : f32
    %broadcast_in_dim3A_35 = vector.broadcast %broadcast_in_dim3A_34 : f32 to vector<1024x128xf32>
    %slice3A = vector.extract_strided_slice %get3A_1 {offsets = [0, 0], sizes = [1024, 128], strides = [1, 1]} : vector<1024x4096xf32> to vector<1024x128xf32>
    %sub3A = vector.broadcast %broadcast_in_dim3A : vector<1024x1xf32> to vector<1024x128xf32>
    %sub3A_36 = arith.subf %slice3A, %sub3A : vector<1024x128xf32>
    %exp3A = math.exp %sub3A_36 : vector<1024x128xf32>
    %add3A = arith.addf %broadcast_in_dim3A_33, %exp3A : vector<1024x128xf32>
    %shift_left3A = arith.constant 31 : i32
    %shift_left3A_37 = vector.broadcast %shift_left3A : i32 to vector<1024x128xi32>
    %shift_left3A_38 = arith.shli %get3A_4, %shift_left3A_37 : vector<1024x128xi32>
    %lt3A = arith.constant 0 : i32
    %lt3A_39 = vector.broadcast %lt3A : i32 to vector<1024x128xi32>
    %lt3A_40 = arith.cmpi slt, %shift_left3A_38, %lt3A_39 : vector<1024x128xi32>
    %jit3A_41 = arith.constant 0.000000e+00 : f32
    %broadcast_in_dim3A_42 = vector.broadcast %jit3A_41 : f32 to vector<1024x128xf32>
    %select_n3A_43 = arith.select %lt3A_40, %slice3A, %broadcast_in_dim3A_42 : vector<1024x128xi1>, vector<1024x128xf32>
    %add3A_44 = arith.addf %broadcast_in_dim3A_35, %select_n3A_43 : vector<1024x128xf32>
    %slice3A_45 = vector.extract_strided_slice %get3A_1 {offsets = [0, 128], sizes = [1024, 128], strides = [1, 1]} : vector<1024x4096xf32> to vector<1024x128xf32>
    %sub3A_46 = vector.broadcast %broadcast_in_dim3A : vector<1024x1xf32> to vector<1024x128xf32>
    %sub3A_47 = arith.subf %slice3A_45, %sub3A_46 : vector<1024x128xf32>
    %exp3A_48 = math.exp %sub3A_47 : vector<1024x128xf32>
    %add3A_49 = arith.addf %add3A, %exp3A_48 : vector<1024x128xf32>
    %shift_left3A_50 = arith.constant 30 : i32
    %shift_left3A_51 = vector.broadcast %shift_left3A_50 : i32 to vector<1024x128xi32>
    %shift_left3A_52 = arith.shli %get3A_4, %shift_left3A_51 : vector<1024x128xi32>
    %lt3A_53 = arith.constant 0 : i32
    %lt3A_54 = vector.broadcast %lt3A_53 : i32 to vector<1024x128xi32>
    %lt3A_55 = arith.cmpi slt, %shift_left3A_52, %lt3A_54 : vector<1024x128xi32>
    %jit3A_56 = arith.constant 0.000000e+00 : f32
    %broadcast_in_dim3A_57 = vector.broadcast %jit3A_56 : f32 to vector<1024x128xf32>
    %select_n3A_58 = arith.select %lt3A_55, %slice3A_45, %broadcast_in_dim3A_57 : vector<1024x128xi1>, vector<1024x128xf32>
    %add3A_59 = arith.addf %add3A_44, %select_n3A_58 : vector<1024x128xf32>
    %slice3A_60 = vector.extract_strided_slice %get3A_1 {offsets = [0, 256], sizes = [1024, 128], strides = [1, 1]} : vector<1024x4096xf32> to vector<1024x128xf32>
    %sub3A_61 = vector.broadcast %broadcast_in_dim3A : vector<1024x1xf32> to vector<1024x128xf32>
    %sub3A_62 = arith.subf %slice3A_60, %sub3A_61 : vector<1024x128xf32>
    %exp3A_63 = math.exp %sub3A_62 : vector<1024x128xf32>
    %add3A_64 = arith.addf %add3A_49, %exp3A_63 : vector<1024x128xf32>
    %shift_left3A_65 = arith.constant 29 : i32
    %shift_left3A_66 = vector.broadcast %shift_left3A_65 : i32 to vector<1024x128xi32>
    %shift_left3A_67 = arith.shli %get3A_4, %shift_left3A_66 : vector<1024x128xi32>
    %lt3A_68 = arith.constant 0 : i32
    %lt3A_69 = vector.broadcast %lt3A_68 : i32 to vector<1024x128xi32>
    %lt3A_70 = arith.cmpi slt, %shift_left3A_67, %lt3A_69 : vector<1024x128xi32>
    %jit3A_71 = arith.constant 0.000000e+00 : f32
    %broadcast_in_dim3A_72 = vector.broadcast %jit3A_71 : f32 to vector<1024x128xf32>
    %select_n3A_73 = arith.select %lt3A_70, %slice3A_60, %broadcast_in_dim3A_72 : vector<1024x128xi1>, vector<1024x128xf32>
    %add3A_74 = arith.addf %add3A_59, %select_n3A_73 : vector<1024x128xf32>
    %slice3A_75 = vector.extract_strided_slice %get3A_1 {offsets = [0, 384], sizes = [1024, 128], strides = [1, 1]} : vector<1024x4096xf32> to vector<1024x128xf32>
    %sub3A_76 = vector.broadcast %broadcast_in_dim3A : vector<1024x1xf32> to vector<1024x128xf32>
    %sub3A_77 = arith.subf %slice3A_75, %sub3A_76 : vector<1024x128xf32>
    %exp3A_78 = math.exp %sub3A_77 : vector<1024x128xf32>
    %add3A_79 = arith.addf %add3A_64, %exp3A_78 : vector<1024x128xf32>
    %shift_left3A_80 = arith.constant 28 : i32
    %shift_left3A_81 = vector.broadcast %shift_left3A_80 : i32 to vector<1024x128xi32>
    %shift_left3A_82 = arith.shli %get3A_4, %shift_left3A_81 : vector<1024x128xi32>
    %lt3A_83 = arith.constant 0 : i32
    %lt3A_84 = vector.broadcast %lt3A_83 : i32 to vector<1024x128xi32>
    %lt3A_85 = arith.cmpi slt, %shift_left3A_82, %lt3A_84 : vector<1024x128xi32>
    %jit3A_86 = arith.constant 0.000000e+00 : f32
    %broadcast_in_dim3A_87 = vector.broadcast %jit3A_86 : f32 to vector<1024x128xf32>
    %select_n3A_88 = arith.select %lt3A_85, %slice3A_75, %broadcast_in_dim3A_87 : vector<1024x128xi1>, vector<1024x128xf32>
    %add3A_89 = arith.addf %add3A_74, %select_n3A_88 : vector<1024x128xf32>
    %slice3A_90 = vector.extract_strided_slice %get3A_1 {offsets = [0, 512], sizes = [1024, 128], strides = [1, 1]} : vector<1024x4096xf32> to vector<1024x128xf32>
    %sub3A_91 = vector.broadcast %broadcast_in_dim3A : vector<1024x1xf32> to vector<1024x128xf32>
    %sub3A_92 = arith.subf %slice3A_90, %sub3A_91 : vector<1024x128xf32>
    %exp3A_93 = math.exp %sub3A_92 : vector<1024x128xf32>
    %add3A_94 = arith.addf %add3A_79, %exp3A_93 : vector<1024x128xf32>
    %shift_left3A_95 = arith.constant 27 : i32
    %shift_left3A_96 = vector.broadcast %shift_left3A_95 : i32 to vector<1024x128xi32>
    %shift_left3A_97 = arith.shli %get3A_4, %shift_left3A_96 : vector<1024x128xi32>
    %lt3A_98 = arith.constant 0 : i32
    %lt3A_99 = vector.broadcast %lt3A_98 : i32 to vector<1024x128xi32>
    %lt3A_100 = arith.cmpi slt, %shift_left3A_97, %lt3A_99 : vector<1024x128xi32>
    %jit3A_101 = arith.constant 0.000000e+00 : f32
    %broadcast_in_dim3A_102 = vector.broadcast %jit3A_101 : f32 to vector<1024x128xf32>
    %select_n3A_103 = arith.select %lt3A_100, %slice3A_90, %broadcast_in_dim3A_102 : vector<1024x128xi1>, vector<1024x128xf32>
    %add3A_104 = arith.addf %add3A_89, %select_n3A_103 : vector<1024x128xf32>
    %slice3A_105 = vector.extract_strided_slice %get3A_1 {offsets = [0, 640], sizes = [1024, 128], strides = [1, 1]} : vector<1024x4096xf32> to vector<1024x128xf32>
    %sub3A_106 = vector.broadcast %broadcast_in_dim3A : vector<1024x1xf32> to vector<1024x128xf32>
    %sub3A_107 = arith.subf %slice3A_105, %sub3A_106 : vector<1024x128xf32>
    %exp3A_108 = math.exp %sub3A_107 : vector<1024x128xf32>
    %add3A_109 = arith.addf %add3A_94, %exp3A_108 : vector<1024x128xf32>
    %shift_left3A_110 = arith.constant 26 : i32
    %shift_left3A_111 = vector.broadcast %shift_left3A_110 : i32 to vector<1024x128xi32>
    %shift_left3A_112 = arith.shli %get3A_4, %shift_left3A_111 : vector<1024x128xi32>
    %lt3A_113 = arith.constant 0 : i32
    %lt3A_114 = vector.broadcast %lt3A_113 : i32 to vector<1024x128xi32>
    %lt3A_115 = arith.cmpi slt, %shift_left3A_112, %lt3A_114 : vector<1024x128xi32>
    %jit3A_116 = arith.constant 0.000000e+00 : f32
    %broadcast_in_dim3A_117 = vector.broadcast %jit3A_116 : f32 to vector<1024x128xf32>
    %select_n3A_118 = arith.select %lt3A_115, %slice3A_105, %broadcast_in_dim3A_117 : vector<1024x128xi1>, vector<1024x128xf32>
    %add3A_119 = arith.addf %add3A_104, %select_n3A_118 : vector<1024x128xf32>
    %slice3A_120 = vector.extract_strided_slice %get3A_1 {offsets = [0, 768], sizes = [1024, 128], strides = [1, 1]} : vector<1024x4096xf32> to vector<1024x128xf32>
    %sub3A_121 = vector.broadcast %broadcast_in_dim3A : vector<1024x1xf32> to vector<1024x128xf32>
    %sub3A_122 = arith.subf %slice3A_120, %sub3A_121 : vector<1024x128xf32>
    %exp3A_123 = math.exp %sub3A_122 : vector<1024x128xf32>
    %add3A_124 = arith.addf %add3A_109, %exp3A_123 : vector<1024x128xf32>
    %shift_left3A_125 = arith.constant 25 : i32
    %shift_left3A_126 = vector.broadcast %shift_left3A_125 : i32 to vector<1024x128xi32>
    %shift_left3A_127 = arith.shli %get3A_4, %shift_left3A_126 : vector<1024x128xi32>
    %lt3A_128 = arith.constant 0 : i32
    %lt3A_129 = vector.broadcast %lt3A_128 : i32 to vector<1024x128xi32>
    %lt3A_130 = arith.cmpi slt, %shift_left3A_127, %lt3A_129 : vector<1024x128xi32>
    %jit3A_131 = arith.constant 0.000000e+00 : f32
    %broadcast_in_dim3A_132 = vector.broadcast %jit3A_131 : f32 to vector<1024x128xf32>
    %select_n3A_133 = arith.select %lt3A_130, %slice3A_120, %broadcast_in_dim3A_132 : vector<1024x128xi1>, vector<1024x128xf32>
    %add3A_134 = arith.addf %add3A_119, %select_n3A_133 : vector<1024x128xf32>
    %slice3A_135 = vector.extract_strided_slice %get3A_1 {offsets = [0, 896], sizes = [1024, 128], strides = [1, 1]} : vector<1024x4096xf32> to vector<1024x128xf32>
    %sub3A_136 = vector.broadcast %broadcast_in_dim3A : vector<1024x1xf32> to vector<1024x128xf32>
    %sub3A_137 = arith.subf %slice3A_135, %sub3A_136 : vector<1024x128xf32>
    %exp3A_138 = math.exp %sub3A_137 : vector<1024x128xf32>
    %add3A_139 = arith.addf %add3A_124, %exp3A_138 : vector<1024x128xf32>
    %shift_left3A_140 = arith.constant 24 : i32
    %shift_left3A_141 = vector.broadcast %shift_left3A_140 : i32 to vector<1024x128xi32>
    %shift_left3A_142 = arith.shli %get3A_4, %shift_left3A_141 : vector<1024x128xi32>
    %lt3A_143 = arith.constant 0 : i32
    %lt3A_144 = vector.broadcast %lt3A_143 : i32 to vector<1024x128xi32>
    %lt3A_145 = arith.cmpi slt, %shift_left3A_142, %lt3A_144 : vector<1024x128xi32>
    %jit3A_146 = arith.constant 0.000000e+00 : f32
    %broadcast_in_dim3A_147 = vector.broadcast %jit3A_146 : f32 to vector<1024x128xf32>
    %select_n3A_148 = arith.select %lt3A_145, %slice3A_135, %broadcast_in_dim3A_147 : vector<1024x128xi1>, vector<1024x128xf32>
    %add3A_149 = arith.addf %add3A_134, %select_n3A_148 : vector<1024x128xf32>
    %slice3A_150 = vector.extract_strided_slice %get3A_1 {offsets = [0, 1024], sizes = [1024, 128], strides = [1, 1]} : vector<1024x4096xf32> to vector<1024x128xf32>
    %sub3A_151 = vector.broadcast %broadcast_in_dim3A : vector<1024x1xf32> to vector<1024x128xf32>
    %sub3A_152 = arith.subf %slice3A_150, %sub3A_151 : vector<1024x128xf32>
    %exp3A_153 = math.exp %sub3A_152 : vector<1024x128xf32>
    %add3A_154 = arith.addf %add3A_139, %exp3A_153 : vector<1024x128xf32>
    %shift_left3A_155 = arith.constant 23 : i32
    %shift_left3A_156 = vector.broadcast %shift_left3A_155 : i32 to vector<1024x128xi32>
    %shift_left3A_157 = arith.shli %get3A_4, %shift_left3A_156 : vector<1024x128xi32>
    %lt3A_158 = arith.constant 0 : i32
    %lt3A_159 = vector.broadcast %lt3A_158 : i32 to vector<1024x128xi32>
    %lt3A_160 = arith.cmpi slt, %shift_left3A_157, %lt3A_159 : vector<1024x128xi32>
    %jit3A_161 = arith.constant 0.000000e+00 : f32
    %broadcast_in_dim3A_162 = vector.broadcast %jit3A_161 : f32 to vector<1024x128xf32>
    %select_n3A_163 = arith.select %lt3A_160, %slice3A_150, %broadcast_in_dim3A_162 : vector<1024x128xi1>, vector<1024x128xf32>
    %add3A_164 = arith.addf %add3A_149, %select_n3A_163 : vector<1024x128xf32>
    %slice3A_165 = vector.extract_strided_slice %get3A_1 {offsets = [0, 1152], sizes = [1024, 128], strides = [1, 1]} : vector<1024x4096xf32> to vector<1024x128xf32>
    %sub3A_166 = vector.broadcast %broadcast_in_dim3A : vector<1024x1xf32> to vector<1024x128xf32>
    %sub3A_167 = arith.subf %slice3A_165, %sub3A_166 : vector<1024x128xf32>
    %exp3A_168 = math.exp %sub3A_167 : vector<1024x128xf32>
    %add3A_169 = arith.addf %add3A_154, %exp3A_168 : vector<1024x128xf32>
    %shift_left3A_170 = arith.constant 22 : i32
    %shift_left3A_171 = vector.broadcast %shift_left3A_170 : i32 to vector<1024x128xi32>
    %shift_left3A_172 = arith.shli %get3A_4, %shift_left3A_171 : vector<1024x128xi32>
    %lt3A_173 = arith.constant 0 : i32
    %lt3A_174 = vector.broadcast %lt3A_173 : i32 to vector<1024x128xi32>
    %lt3A_175 = arith.cmpi slt, %shift_left3A_172, %lt3A_174 : vector<1024x128xi32>
    %jit3A_176 = arith.constant 0.000000e+00 : f32
    %broadcast_in_dim3A_177 = vector.broadcast %jit3A_176 : f32 to vector<1024x128xf32>
    %select_n3A_178 = arith.select %lt3A_175, %slice3A_165, %broadcast_in_dim3A_177 : vector<1024x128xi1>, vector<1024x128xf32>
    %add3A_179 = arith.addf %add3A_164, %select_n3A_178 : vector<1024x128xf32>
    %slice3A_180 = vector.extract_strided_slice %get3A_1 {offsets = [0, 1280], sizes = [1024, 128], strides = [1, 1]} : vector<1024x4096xf32> to vector<1024x128xf32>
    %sub3A_181 = vector.broadcast %broadcast_in_dim3A : vector<1024x1xf32> to vector<1024x128xf32>
    %sub3A_182 = arith.subf %slice3A_180, %sub3A_181 : vector<1024x128xf32>
    %exp3A_183 = math.exp %sub3A_182 : vector<1024x128xf32>
    %add3A_184 = arith.addf %add3A_169, %exp3A_183 : vector<1024x128xf32>
    %shift_left3A_185 = arith.constant 21 : i32
    %shift_left3A_186 = vector.broadcast %shift_left3A_185 : i32 to vector<1024x128xi32>
    %shift_left3A_187 = arith.shli %get3A_4, %shift_left3A_186 : vector<1024x128xi32>
    %lt3A_188 = arith.constant 0 : i32
    %lt3A_189 = vector.broadcast %lt3A_188 : i32 to vector<1024x128xi32>
    %lt3A_190 = arith.cmpi slt, %shift_left3A_187, %lt3A_189 : vector<1024x128xi32>
    %jit3A_191 = arith.constant 0.000000e+00 : f32
    %broadcast_in_dim3A_192 = vector.broadcast %jit3A_191 : f32 to vector<1024x128xf32>
    %select_n3A_193 = arith.select %lt3A_190, %slice3A_180, %broadcast_in_dim3A_192 : vector<1024x128xi1>, vector<1024x128xf32>
    %add3A_194 = arith.addf %add3A_179, %select_n3A_193 : vector<1024x128xf32>
    %slice3A_195 = vector.extract_strided_slice %get3A_1 {offsets = [0, 1408], sizes = [1024, 128], strides = [1, 1]} : vector<1024x4096xf32> to vector<1024x128xf32>
    %sub3A_196 = vector.broadcast %broadcast_in_dim3A : vector<1024x1xf32> to vector<1024x128xf32>
    %sub3A_197 = arith.subf %slice3A_195, %sub3A_196 : vector<1024x128xf32>
    %exp3A_198 = math.exp %sub3A_197 : vector<1024x128xf32>
    %add3A_199 = arith.addf %add3A_184, %exp3A_198 : vector<1024x128xf32>
    %shift_left3A_200 = arith.constant 20 : i32
    %shift_left3A_201 = vector.broadcast %shift_left3A_200 : i32 to vector<1024x128xi32>
    %shift_left3A_202 = arith.shli %get3A_4, %shift_left3A_201 : vector<1024x128xi32>
    %lt3A_203 = arith.constant 0 : i32
    %lt3A_204 = vector.broadcast %lt3A_203 : i32 to vector<1024x128xi32>
    %lt3A_205 = arith.cmpi slt, %shift_left3A_202, %lt3A_204 : vector<1024x128xi32>
    %jit3A_206 = arith.constant 0.000000e+00 : f32
    %broadcast_in_dim3A_207 = vector.broadcast %jit3A_206 : f32 to vector<1024x128xf32>
    %select_n3A_208 = arith.select %lt3A_205, %slice3A_195, %broadcast_in_dim3A_207 : vector<1024x128xi1>, vector<1024x128xf32>
    %add3A_209 = arith.addf %add3A_194, %select_n3A_208 : vector<1024x128xf32>
    %slice3A_210 = vector.extract_strided_slice %get3A_1 {offsets = [0, 1536], sizes = [1024, 128], strides = [1, 1]} : vector<1024x4096xf32> to vector<1024x128xf32>
    %sub3A_211 = vector.broadcast %broadcast_in_dim3A : vector<1024x1xf32> to vector<1024x128xf32>
    %sub3A_212 = arith.subf %slice3A_210, %sub3A_211 : vector<1024x128xf32>
    %exp3A_213 = math.exp %sub3A_212 : vector<1024x128xf32>
    %add3A_214 = arith.addf %add3A_199, %exp3A_213 : vector<1024x128xf32>
    %shift_left3A_215 = arith.constant 19 : i32
    %shift_left3A_216 = vector.broadcast %shift_left3A_215 : i32 to vector<1024x128xi32>
    %shift_left3A_217 = arith.shli %get3A_4, %shift_left3A_216 : vector<1024x128xi32>
    %lt3A_218 = arith.constant 0 : i32
    %lt3A_219 = vector.broadcast %lt3A_218 : i32 to vector<1024x128xi32>
    %lt3A_220 = arith.cmpi slt, %shift_left3A_217, %lt3A_219 : vector<1024x128xi32>
    %jit3A_221 = arith.constant 0.000000e+00 : f32
    %broadcast_in_dim3A_222 = vector.broadcast %jit3A_221 : f32 to vector<1024x128xf32>
    %select_n3A_223 = arith.select %lt3A_220, %slice3A_210, %broadcast_in_dim3A_222 : vector<1024x128xi1>, vector<1024x128xf32>
    %add3A_224 = arith.addf %add3A_209, %select_n3A_223 : vector<1024x128xf32>
    %slice3A_225 = vector.extract_strided_slice %get3A_1 {offsets = [0, 1664], sizes = [1024, 128], strides = [1, 1]} : vector<1024x4096xf32> to vector<1024x128xf32>
    %sub3A_226 = vector.broadcast %broadcast_in_dim3A : vector<1024x1xf32> to vector<1024x128xf32>
    %sub3A_227 = arith.subf %slice3A_225, %sub3A_226 : vector<1024x128xf32>
    %exp3A_228 = math.exp %sub3A_227 : vector<1024x128xf32>
    %add3A_229 = arith.addf %add3A_214, %exp3A_228 : vector<1024x128xf32>
    %shift_left3A_230 = arith.constant 18 : i32
    %shift_left3A_231 = vector.broadcast %shift_left3A_230 : i32 to vector<1024x128xi32>
    %shift_left3A_232 = arith.shli %get3A_4, %shift_left3A_231 : vector<1024x128xi32>
    %lt3A_233 = arith.constant 0 : i32
    %lt3A_234 = vector.broadcast %lt3A_233 : i32 to vector<1024x128xi32>
    %lt3A_235 = arith.cmpi slt, %shift_left3A_232, %lt3A_234 : vector<1024x128xi32>
    %jit3A_236 = arith.constant 0.000000e+00 : f32
    %broadcast_in_dim3A_237 = vector.broadcast %jit3A_236 : f32 to vector<1024x128xf32>
    %select_n3A_238 = arith.select %lt3A_235, %slice3A_225, %broadcast_in_dim3A_237 : vector<1024x128xi1>, vector<1024x128xf32>
    %add3A_239 = arith.addf %add3A_224, %select_n3A_238 : vector<1024x128xf32>
    %slice3A_240 = vector.extract_strided_slice %get3A_1 {offsets = [0, 1792], sizes = [1024, 128], strides = [1, 1]} : vector<1024x4096xf32> to vector<1024x128xf32>
    %sub3A_241 = vector.broadcast %broadcast_in_dim3A : vector<1024x1xf32> to vector<1024x128xf32>
    %sub3A_242 = arith.subf %slice3A_240, %sub3A_241 : vector<1024x128xf32>
    %exp3A_243 = math.exp %sub3A_242 : vector<1024x128xf32>
    %add3A_244 = arith.addf %add3A_229, %exp3A_243 : vector<1024x128xf32>
    %shift_left3A_245 = arith.constant 17 : i32
    %shift_left3A_246 = vector.broadcast %shift_left3A_245 : i32 to vector<1024x128xi32>
    %shift_left3A_247 = arith.shli %get3A_4, %shift_left3A_246 : vector<1024x128xi32>
    %lt3A_248 = arith.constant 0 : i32
    %lt3A_249 = vector.broadcast %lt3A_248 : i32 to vector<1024x128xi32>
    %lt3A_250 = arith.cmpi slt, %shift_left3A_247, %lt3A_249 : vector<1024x128xi32>
    %jit3A_251 = arith.constant 0.000000e+00 : f32
    %broadcast_in_dim3A_252 = vector.broadcast %jit3A_251 : f32 to vector<1024x128xf32>
    %select_n3A_253 = arith.select %lt3A_250, %slice3A_240, %broadcast_in_dim3A_252 : vector<1024x128xi1>, vector<1024x128xf32>
    %add3A_254 = arith.addf %add3A_239, %select_n3A_253 : vector<1024x128xf32>
    %slice3A_255 = vector.extract_strided_slice %get3A_1 {offsets = [0, 1920], sizes = [1024, 128], strides = [1, 1]} : vector<1024x4096xf32> to vector<1024x128xf32>
    %sub3A_256 = vector.broadcast %broadcast_in_dim3A : vector<1024x1xf32> to vector<1024x128xf32>
    %sub3A_257 = arith.subf %slice3A_255, %sub3A_256 : vector<1024x128xf32>
    %exp3A_258 = math.exp %sub3A_257 : vector<1024x128xf32>
    %add3A_259 = arith.addf %add3A_244, %exp3A_258 : vector<1024x128xf32>
    %shift_left3A_260 = arith.constant 16 : i32
    %shift_left3A_261 = vector.broadcast %shift_left3A_260 : i32 to vector<1024x128xi32>
    %shift_left3A_262 = arith.shli %get3A_4, %shift_left3A_261 : vector<1024x128xi32>
    %lt3A_263 = arith.constant 0 : i32
    %lt3A_264 = vector.broadcast %lt3A_263 : i32 to vector<1024x128xi32>
    %lt3A_265 = arith.cmpi slt, %shift_left3A_262, %lt3A_264 : vector<1024x128xi32>
    %jit3A_266 = arith.constant 0.000000e+00 : f32
    %broadcast_in_dim3A_267 = vector.broadcast %jit3A_266 : f32 to vector<1024x128xf32>
    %select_n3A_268 = arith.select %lt3A_265, %slice3A_255, %broadcast_in_dim3A_267 : vector<1024x128xi1>, vector<1024x128xf32>
    %add3A_269 = arith.addf %add3A_254, %select_n3A_268 : vector<1024x128xf32>
    %slice3A_270 = vector.extract_strided_slice %get3A_1 {offsets = [0, 2048], sizes = [1024, 128], strides = [1, 1]} : vector<1024x4096xf32> to vector<1024x128xf32>
    %sub3A_271 = vector.broadcast %broadcast_in_dim3A : vector<1024x1xf32> to vector<1024x128xf32>
    %sub3A_272 = arith.subf %slice3A_270, %sub3A_271 : vector<1024x128xf32>
    %exp3A_273 = math.exp %sub3A_272 : vector<1024x128xf32>
    %add3A_274 = arith.addf %add3A_259, %exp3A_273 : vector<1024x128xf32>
    %shift_left3A_275 = arith.constant 15 : i32
    %shift_left3A_276 = vector.broadcast %shift_left3A_275 : i32 to vector<1024x128xi32>
    %shift_left3A_277 = arith.shli %get3A_4, %shift_left3A_276 : vector<1024x128xi32>
    %lt3A_278 = arith.constant 0 : i32
    %lt3A_279 = vector.broadcast %lt3A_278 : i32 to vector<1024x128xi32>
    %lt3A_280 = arith.cmpi slt, %shift_left3A_277, %lt3A_279 : vector<1024x128xi32>
    %jit3A_281 = arith.constant 0.000000e+00 : f32
    %broadcast_in_dim3A_282 = vector.broadcast %jit3A_281 : f32 to vector<1024x128xf32>
    %select_n3A_283 = arith.select %lt3A_280, %slice3A_270, %broadcast_in_dim3A_282 : vector<1024x128xi1>, vector<1024x128xf32>
    %add3A_284 = arith.addf %add3A_269, %select_n3A_283 : vector<1024x128xf32>
    %slice3A_285 = vector.extract_strided_slice %get3A_1 {offsets = [0, 2176], sizes = [1024, 128], strides = [1, 1]} : vector<1024x4096xf32> to vector<1024x128xf32>
    %sub3A_286 = vector.broadcast %broadcast_in_dim3A : vector<1024x1xf32> to vector<1024x128xf32>
    %sub3A_287 = arith.subf %slice3A_285, %sub3A_286 : vector<1024x128xf32>
    %exp3A_288 = math.exp %sub3A_287 : vector<1024x128xf32>
    %add3A_289 = arith.addf %add3A_274, %exp3A_288 : vector<1024x128xf32>
    %shift_left3A_290 = arith.constant 14 : i32
    %shift_left3A_291 = vector.broadcast %shift_left3A_290 : i32 to vector<1024x128xi32>
    %shift_left3A_292 = arith.shli %get3A_4, %shift_left3A_291 : vector<1024x128xi32>
    %lt3A_293 = arith.constant 0 : i32
    %lt3A_294 = vector.broadcast %lt3A_293 : i32 to vector<1024x128xi32>
    %lt3A_295 = arith.cmpi slt, %shift_left3A_292, %lt3A_294 : vector<1024x128xi32>
    %jit3A_296 = arith.constant 0.000000e+00 : f32
    %broadcast_in_dim3A_297 = vector.broadcast %jit3A_296 : f32 to vector<1024x128xf32>
    %select_n3A_298 = arith.select %lt3A_295, %slice3A_285, %broadcast_in_dim3A_297 : vector<1024x128xi1>, vector<1024x128xf32>
    %add3A_299 = arith.addf %add3A_284, %select_n3A_298 : vector<1024x128xf32>
    %slice3A_300 = vector.extract_strided_slice %get3A_1 {offsets = [0, 2304], sizes = [1024, 128], strides = [1, 1]} : vector<1024x4096xf32> to vector<1024x128xf32>
    %sub3A_301 = vector.broadcast %broadcast_in_dim3A : vector<1024x1xf32> to vector<1024x128xf32>
    %sub3A_302 = arith.subf %slice3A_300, %sub3A_301 : vector<1024x128xf32>
    %exp3A_303 = math.exp %sub3A_302 : vector<1024x128xf32>
    %add3A_304 = arith.addf %add3A_289, %exp3A_303 : vector<1024x128xf32>
    %shift_left3A_305 = arith.constant 13 : i32
    %shift_left3A_306 = vector.broadcast %shift_left3A_305 : i32 to vector<1024x128xi32>
    %shift_left3A_307 = arith.shli %get3A_4, %shift_left3A_306 : vector<1024x128xi32>
    %lt3A_308 = arith.constant 0 : i32
    %lt3A_309 = vector.broadcast %lt3A_308 : i32 to vector<1024x128xi32>
    %lt3A_310 = arith.cmpi slt, %shift_left3A_307, %lt3A_309 : vector<1024x128xi32>
    %jit3A_311 = arith.constant 0.000000e+00 : f32
    %broadcast_in_dim3A_312 = vector.broadcast %jit3A_311 : f32 to vector<1024x128xf32>
    %select_n3A_313 = arith.select %lt3A_310, %slice3A_300, %broadcast_in_dim3A_312 : vector<1024x128xi1>, vector<1024x128xf32>
    %add3A_314 = arith.addf %add3A_299, %select_n3A_313 : vector<1024x128xf32>
    %slice3A_315 = vector.extract_strided_slice %get3A_1 {offsets = [0, 2432], sizes = [1024, 128], strides = [1, 1]} : vector<1024x4096xf32> to vector<1024x128xf32>
    %sub3A_316 = vector.broadcast %broadcast_in_dim3A : vector<1024x1xf32> to vector<1024x128xf32>
    %sub3A_317 = arith.subf %slice3A_315, %sub3A_316 : vector<1024x128xf32>
    %exp3A_318 = math.exp %sub3A_317 : vector<1024x128xf32>
    %add3A_319 = arith.addf %add3A_304, %exp3A_318 : vector<1024x128xf32>
    %shift_left3A_320 = arith.constant 12 : i32
    %shift_left3A_321 = vector.broadcast %shift_left3A_320 : i32 to vector<1024x128xi32>
    %shift_left3A_322 = arith.shli %get3A_4, %shift_left3A_321 : vector<1024x128xi32>
    %lt3A_323 = arith.constant 0 : i32
    %lt3A_324 = vector.broadcast %lt3A_323 : i32 to vector<1024x128xi32>
    %lt3A_325 = arith.cmpi slt, %shift_left3A_322, %lt3A_324 : vector<1024x128xi32>
    %jit3A_326 = arith.constant 0.000000e+00 : f32
    %broadcast_in_dim3A_327 = vector.broadcast %jit3A_326 : f32 to vector<1024x128xf32>
    %select_n3A_328 = arith.select %lt3A_325, %slice3A_315, %broadcast_in_dim3A_327 : vector<1024x128xi1>, vector<1024x128xf32>
    %add3A_329 = arith.addf %add3A_314, %select_n3A_328 : vector<1024x128xf32>
    %slice3A_330 = vector.extract_strided_slice %get3A_1 {offsets = [0, 2560], sizes = [1024, 128], strides = [1, 1]} : vector<1024x4096xf32> to vector<1024x128xf32>
    %sub3A_331 = vector.broadcast %broadcast_in_dim3A : vector<1024x1xf32> to vector<1024x128xf32>
    %sub3A_332 = arith.subf %slice3A_330, %sub3A_331 : vector<1024x128xf32>
    %exp3A_333 = math.exp %sub3A_332 : vector<1024x128xf32>
    %add3A_334 = arith.addf %add3A_319, %exp3A_333 : vector<1024x128xf32>
    %shift_left3A_335 = arith.constant 11 : i32
    %shift_left3A_336 = vector.broadcast %shift_left3A_335 : i32 to vector<1024x128xi32>
    %shift_left3A_337 = arith.shli %get3A_4, %shift_left3A_336 : vector<1024x128xi32>
    %lt3A_338 = arith.constant 0 : i32
    %lt3A_339 = vector.broadcast %lt3A_338 : i32 to vector<1024x128xi32>
    %lt3A_340 = arith.cmpi slt, %shift_left3A_337, %lt3A_339 : vector<1024x128xi32>
    %jit3A_341 = arith.constant 0.000000e+00 : f32
    %broadcast_in_dim3A_342 = vector.broadcast %jit3A_341 : f32 to vector<1024x128xf32>
    %select_n3A_343 = arith.select %lt3A_340, %slice3A_330, %broadcast_in_dim3A_342 : vector<1024x128xi1>, vector<1024x128xf32>
    %add3A_344 = arith.addf %add3A_329, %select_n3A_343 : vector<1024x128xf32>
    %slice3A_345 = vector.extract_strided_slice %get3A_1 {offsets = [0, 2688], sizes = [1024, 128], strides = [1, 1]} : vector<1024x4096xf32> to vector<1024x128xf32>
    %sub3A_346 = vector.broadcast %broadcast_in_dim3A : vector<1024x1xf32> to vector<1024x128xf32>
    %sub3A_347 = arith.subf %slice3A_345, %sub3A_346 : vector<1024x128xf32>
    %exp3A_348 = math.exp %sub3A_347 : vector<1024x128xf32>
    %add3A_349 = arith.addf %add3A_334, %exp3A_348 : vector<1024x128xf32>
    %shift_left3A_350 = arith.constant 10 : i32
    %shift_left3A_351 = vector.broadcast %shift_left3A_350 : i32 to vector<1024x128xi32>
    %shift_left3A_352 = arith.shli %get3A_4, %shift_left3A_351 : vector<1024x128xi32>
    %lt3A_353 = arith.constant 0 : i32
    %lt3A_354 = vector.broadcast %lt3A_353 : i32 to vector<1024x128xi32>
    %lt3A_355 = arith.cmpi slt, %shift_left3A_352, %lt3A_354 : vector<1024x128xi32>
    %jit3A_356 = arith.constant 0.000000e+00 : f32
    %broadcast_in_dim3A_357 = vector.broadcast %jit3A_356 : f32 to vector<1024x128xf32>
    %select_n3A_358 = arith.select %lt3A_355, %slice3A_345, %broadcast_in_dim3A_357 : vector<1024x128xi1>, vector<1024x128xf32>
    %add3A_359 = arith.addf %add3A_344, %select_n3A_358 : vector<1024x128xf32>
    %slice3A_360 = vector.extract_strided_slice %get3A_1 {offsets = [0, 2816], sizes = [1024, 128], strides = [1, 1]} : vector<1024x4096xf32> to vector<1024x128xf32>
    %sub3A_361 = vector.broadcast %broadcast_in_dim3A : vector<1024x1xf32> to vector<1024x128xf32>
    %sub3A_362 = arith.subf %slice3A_360, %sub3A_361 : vector<1024x128xf32>
    %exp3A_363 = math.exp %sub3A_362 : vector<1024x128xf32>
    %add3A_364 = arith.addf %add3A_349, %exp3A_363 : vector<1024x128xf32>
    %shift_left3A_365 = arith.constant 9 : i32
    %shift_left3A_366 = vector.broadcast %shift_left3A_365 : i32 to vector<1024x128xi32>
    %shift_left3A_367 = arith.shli %get3A_4, %shift_left3A_366 : vector<1024x128xi32>
    %lt3A_368 = arith.constant 0 : i32
    %lt3A_369 = vector.broadcast %lt3A_368 : i32 to vector<1024x128xi32>
    %lt3A_370 = arith.cmpi slt, %shift_left3A_367, %lt3A_369 : vector<1024x128xi32>
    %jit3A_371 = arith.constant 0.000000e+00 : f32
    %broadcast_in_dim3A_372 = vector.broadcast %jit3A_371 : f32 to vector<1024x128xf32>
    %select_n3A_373 = arith.select %lt3A_370, %slice3A_360, %broadcast_in_dim3A_372 : vector<1024x128xi1>, vector<1024x128xf32>
    %add3A_374 = arith.addf %add3A_359, %select_n3A_373 : vector<1024x128xf32>
    %slice3A_375 = vector.extract_strided_slice %get3A_1 {offsets = [0, 2944], sizes = [1024, 128], strides = [1, 1]} : vector<1024x4096xf32> to vector<1024x128xf32>
    %sub3A_376 = vector.broadcast %broadcast_in_dim3A : vector<1024x1xf32> to vector<1024x128xf32>
    %sub3A_377 = arith.subf %slice3A_375, %sub3A_376 : vector<1024x128xf32>
    %exp3A_378 = math.exp %sub3A_377 : vector<1024x128xf32>
    %add3A_379 = arith.addf %add3A_364, %exp3A_378 : vector<1024x128xf32>
    %shift_left3A_380 = arith.constant 8 : i32
    %shift_left3A_381 = vector.broadcast %shift_left3A_380 : i32 to vector<1024x128xi32>
    %shift_left3A_382 = arith.shli %get3A_4, %shift_left3A_381 : vector<1024x128xi32>
    %lt3A_383 = arith.constant 0 : i32
    %lt3A_384 = vector.broadcast %lt3A_383 : i32 to vector<1024x128xi32>
    %lt3A_385 = arith.cmpi slt, %shift_left3A_382, %lt3A_384 : vector<1024x128xi32>
    %jit3A_386 = arith.constant 0.000000e+00 : f32
    %broadcast_in_dim3A_387 = vector.broadcast %jit3A_386 : f32 to vector<1024x128xf32>
    %select_n3A_388 = arith.select %lt3A_385, %slice3A_375, %broadcast_in_dim3A_387 : vector<1024x128xi1>, vector<1024x128xf32>
    %add3A_389 = arith.addf %add3A_374, %select_n3A_388 : vector<1024x128xf32>
    %slice3A_390 = vector.extract_strided_slice %get3A_1 {offsets = [0, 3072], sizes = [1024, 128], strides = [1, 1]} : vector<1024x4096xf32> to vector<1024x128xf32>
    %sub3A_391 = vector.broadcast %broadcast_in_dim3A : vector<1024x1xf32> to vector<1024x128xf32>
    %sub3A_392 = arith.subf %slice3A_390, %sub3A_391 : vector<1024x128xf32>
    %exp3A_393 = math.exp %sub3A_392 : vector<1024x128xf32>
    %add3A_394 = arith.addf %add3A_379, %exp3A_393 : vector<1024x128xf32>
    %shift_left3A_395 = arith.constant 7 : i32
    %shift_left3A_396 = vector.broadcast %shift_left3A_395 : i32 to vector<1024x128xi32>
    %shift_left3A_397 = arith.shli %get3A_4, %shift_left3A_396 : vector<1024x128xi32>
    %lt3A_398 = arith.constant 0 : i32
    %lt3A_399 = vector.broadcast %lt3A_398 : i32 to vector<1024x128xi32>
    %lt3A_400 = arith.cmpi slt, %shift_left3A_397, %lt3A_399 : vector<1024x128xi32>
    %jit3A_401 = arith.constant 0.000000e+00 : f32
    %broadcast_in_dim3A_402 = vector.broadcast %jit3A_401 : f32 to vector<1024x128xf32>
    %select_n3A_403 = arith.select %lt3A_400, %slice3A_390, %broadcast_in_dim3A_402 : vector<1024x128xi1>, vector<1024x128xf32>
    %add3A_404 = arith.addf %add3A_389, %select_n3A_403 : vector<1024x128xf32>
    %slice3A_405 = vector.extract_strided_slice %get3A_1 {offsets = [0, 3200], sizes = [1024, 128], strides = [1, 1]} : vector<1024x4096xf32> to vector<1024x128xf32>
    %sub3A_406 = vector.broadcast %broadcast_in_dim3A : vector<1024x1xf32> to vector<1024x128xf32>
    %sub3A_407 = arith.subf %slice3A_405, %sub3A_406 : vector<1024x128xf32>
    %exp3A_408 = math.exp %sub3A_407 : vector<1024x128xf32>
    %add3A_409 = arith.addf %add3A_394, %exp3A_408 : vector<1024x128xf32>
    %shift_left3A_410 = arith.constant 6 : i32
    %shift_left3A_411 = vector.broadcast %shift_left3A_410 : i32 to vector<1024x128xi32>
    %shift_left3A_412 = arith.shli %get3A_4, %shift_left3A_411 : vector<1024x128xi32>
    %lt3A_413 = arith.constant 0 : i32
    %lt3A_414 = vector.broadcast %lt3A_413 : i32 to vector<1024x128xi32>
    %lt3A_415 = arith.cmpi slt, %shift_left3A_412, %lt3A_414 : vector<1024x128xi32>
    %jit3A_416 = arith.constant 0.000000e+00 : f32
    %broadcast_in_dim3A_417 = vector.broadcast %jit3A_416 : f32 to vector<1024x128xf32>
    %select_n3A_418 = arith.select %lt3A_415, %slice3A_405, %broadcast_in_dim3A_417 : vector<1024x128xi1>, vector<1024x128xf32>
    %add3A_419 = arith.addf %add3A_404, %select_n3A_418 : vector<1024x128xf32>
    %slice3A_420 = vector.extract_strided_slice %get3A_1 {offsets = [0, 3328], sizes = [1024, 128], strides = [1, 1]} : vector<1024x4096xf32> to vector<1024x128xf32>
    %sub3A_421 = vector.broadcast %broadcast_in_dim3A : vector<1024x1xf32> to vector<1024x128xf32>
    %sub3A_422 = arith.subf %slice3A_420, %sub3A_421 : vector<1024x128xf32>
    %exp3A_423 = math.exp %sub3A_422 : vector<1024x128xf32>
    %add3A_424 = arith.addf %add3A_409, %exp3A_423 : vector<1024x128xf32>
    %shift_left3A_425 = arith.constant 5 : i32
    %shift_left3A_426 = vector.broadcast %shift_left3A_425 : i32 to vector<1024x128xi32>
    %shift_left3A_427 = arith.shli %get3A_4, %shift_left3A_426 : vector<1024x128xi32>
    %lt3A_428 = arith.constant 0 : i32
    %lt3A_429 = vector.broadcast %lt3A_428 : i32 to vector<1024x128xi32>
    %lt3A_430 = arith.cmpi slt, %shift_left3A_427, %lt3A_429 : vector<1024x128xi32>
    %jit3A_431 = arith.constant 0.000000e+00 : f32
    %broadcast_in_dim3A_432 = vector.broadcast %jit3A_431 : f32 to vector<1024x128xf32>
    %select_n3A_433 = arith.select %lt3A_430, %slice3A_420, %broadcast_in_dim3A_432 : vector<1024x128xi1>, vector<1024x128xf32>
    %add3A_434 = arith.addf %add3A_419, %select_n3A_433 : vector<1024x128xf32>
    %slice3A_435 = vector.extract_strided_slice %get3A_1 {offsets = [0, 3456], sizes = [1024, 128], strides = [1, 1]} : vector<1024x4096xf32> to vector<1024x128xf32>
    %sub3A_436 = vector.broadcast %broadcast_in_dim3A : vector<1024x1xf32> to vector<1024x128xf32>
    %sub3A_437 = arith.subf %slice3A_435, %sub3A_436 : vector<1024x128xf32>
    %exp3A_438 = math.exp %sub3A_437 : vector<1024x128xf32>
    %add3A_439 = arith.addf %add3A_424, %exp3A_438 : vector<1024x128xf32>
    %shift_left3A_440 = arith.constant 4 : i32
    %shift_left3A_441 = vector.broadcast %shift_left3A_440 : i32 to vector<1024x128xi32>
    %shift_left3A_442 = arith.shli %get3A_4, %shift_left3A_441 : vector<1024x128xi32>
    %lt3A_443 = arith.constant 0 : i32
    %lt3A_444 = vector.broadcast %lt3A_443 : i32 to vector<1024x128xi32>
    %lt3A_445 = arith.cmpi slt, %shift_left3A_442, %lt3A_444 : vector<1024x128xi32>
    %jit3A_446 = arith.constant 0.000000e+00 : f32
    %broadcast_in_dim3A_447 = vector.broadcast %jit3A_446 : f32 to vector<1024x128xf32>
    %select_n3A_448 = arith.select %lt3A_445, %slice3A_435, %broadcast_in_dim3A_447 : vector<1024x128xi1>, vector<1024x128xf32>
    %add3A_449 = arith.addf %add3A_434, %select_n3A_448 : vector<1024x128xf32>
    %slice3A_450 = vector.extract_strided_slice %get3A_1 {offsets = [0, 3584], sizes = [1024, 128], strides = [1, 1]} : vector<1024x4096xf32> to vector<1024x128xf32>
    %sub3A_451 = vector.broadcast %broadcast_in_dim3A : vector<1024x1xf32> to vector<1024x128xf32>
    %sub3A_452 = arith.subf %slice3A_450, %sub3A_451 : vector<1024x128xf32>
    %exp3A_453 = math.exp %sub3A_452 : vector<1024x128xf32>
    %add3A_454 = arith.addf %add3A_439, %exp3A_453 : vector<1024x128xf32>
    %shift_left3A_455 = arith.constant 3 : i32
    %shift_left3A_456 = vector.broadcast %shift_left3A_455 : i32 to vector<1024x128xi32>
    %shift_left3A_457 = arith.shli %get3A_4, %shift_left3A_456 : vector<1024x128xi32>
    %lt3A_458 = arith.constant 0 : i32
    %lt3A_459 = vector.broadcast %lt3A_458 : i32 to vector<1024x128xi32>
    %lt3A_460 = arith.cmpi slt, %shift_left3A_457, %lt3A_459 : vector<1024x128xi32>
    %jit3A_461 = arith.constant 0.000000e+00 : f32
    %broadcast_in_dim3A_462 = vector.broadcast %jit3A_461 : f32 to vector<1024x128xf32>
    %select_n3A_463 = arith.select %lt3A_460, %slice3A_450, %broadcast_in_dim3A_462 : vector<1024x128xi1>, vector<1024x128xf32>
    %add3A_464 = arith.addf %add3A_449, %select_n3A_463 : vector<1024x128xf32>
    %slice3A_465 = vector.extract_strided_slice %get3A_1 {offsets = [0, 3712], sizes = [1024, 128], strides = [1, 1]} : vector<1024x4096xf32> to vector<1024x128xf32>
    %sub3A_466 = vector.broadcast %broadcast_in_dim3A : vector<1024x1xf32> to vector<1024x128xf32>
    %sub3A_467 = arith.subf %slice3A_465, %sub3A_466 : vector<1024x128xf32>
    %exp3A_468 = math.exp %sub3A_467 : vector<1024x128xf32>
    %add3A_469 = arith.addf %add3A_454, %exp3A_468 : vector<1024x128xf32>
    %shift_left3A_470 = arith.constant 2 : i32
    %shift_left3A_471 = vector.broadcast %shift_left3A_470 : i32 to vector<1024x128xi32>
    %shift_left3A_472 = arith.shli %get3A_4, %shift_left3A_471 : vector<1024x128xi32>
    %lt3A_473 = arith.constant 0 : i32
    %lt3A_474 = vector.broadcast %lt3A_473 : i32 to vector<1024x128xi32>
    %lt3A_475 = arith.cmpi slt, %shift_left3A_472, %lt3A_474 : vector<1024x128xi32>
    %jit3A_476 = arith.constant 0.000000e+00 : f32
    %broadcast_in_dim3A_477 = vector.broadcast %jit3A_476 : f32 to vector<1024x128xf32>
    %select_n3A_478 = arith.select %lt3A_475, %slice3A_465, %broadcast_in_dim3A_477 : vector<1024x128xi1>, vector<1024x128xf32>
    %add3A_479 = arith.addf %add3A_464, %select_n3A_478 : vector<1024x128xf32>
    %slice3A_480 = vector.extract_strided_slice %get3A_1 {offsets = [0, 3840], sizes = [1024, 128], strides = [1, 1]} : vector<1024x4096xf32> to vector<1024x128xf32>
    %sub3A_481 = vector.broadcast %broadcast_in_dim3A : vector<1024x1xf32> to vector<1024x128xf32>
    %sub3A_482 = arith.subf %slice3A_480, %sub3A_481 : vector<1024x128xf32>
    %exp3A_483 = math.exp %sub3A_482 : vector<1024x128xf32>
    %add3A_484 = arith.addf %add3A_469, %exp3A_483 : vector<1024x128xf32>
    %shift_left3A_485 = arith.constant 1 : i32
    %shift_left3A_486 = vector.broadcast %shift_left3A_485 : i32 to vector<1024x128xi32>
    %shift_left3A_487 = arith.shli %get3A_4, %shift_left3A_486 : vector<1024x128xi32>
    %lt3A_488 = arith.constant 0 : i32
    %lt3A_489 = vector.broadcast %lt3A_488 : i32 to vector<1024x128xi32>
    %lt3A_490 = arith.cmpi slt, %shift_left3A_487, %lt3A_489 : vector<1024x128xi32>
    %jit3A_491 = arith.constant 0.000000e+00 : f32
    %broadcast_in_dim3A_492 = vector.broadcast %jit3A_491 : f32 to vector<1024x128xf32>
    %select_n3A_493 = arith.select %lt3A_490, %slice3A_480, %broadcast_in_dim3A_492 : vector<1024x128xi1>, vector<1024x128xf32>
    %add3A_494 = arith.addf %add3A_479, %select_n3A_493 : vector<1024x128xf32>
    %slice3A_495 = vector.extract_strided_slice %get3A_1 {offsets = [0, 3968], sizes = [1024, 128], strides = [1, 1]} : vector<1024x4096xf32> to vector<1024x128xf32>
    %sub3A_496 = vector.broadcast %broadcast_in_dim3A : vector<1024x1xf32> to vector<1024x128xf32>
    %sub3A_497 = arith.subf %slice3A_495, %sub3A_496 : vector<1024x128xf32>
    %exp3A_498 = math.exp %sub3A_497 : vector<1024x128xf32>
    %add3A_499 = arith.addf %add3A_484, %exp3A_498 : vector<1024x128xf32>
    %shift_left3A_500 = arith.constant 0 : i32
    %shift_left3A_501 = vector.broadcast %shift_left3A_500 : i32 to vector<1024x128xi32>
    %shift_left3A_502 = arith.shli %get3A_4, %shift_left3A_501 : vector<1024x128xi32>
    %lt3A_503 = arith.constant 0 : i32
    %lt3A_504 = vector.broadcast %lt3A_503 : i32 to vector<1024x128xi32>
    %lt3A_505 = arith.cmpi slt, %shift_left3A_502, %lt3A_504 : vector<1024x128xi32>
    %jit3A_506 = arith.constant 0.000000e+00 : f32
    %broadcast_in_dim3A_507 = vector.broadcast %jit3A_506 : f32 to vector<1024x128xf32>
    %select_n3A_508 = arith.select %lt3A_505, %slice3A_495, %broadcast_in_dim3A_507 : vector<1024x128xi1>, vector<1024x128xf32>
    %add3A_509 = arith.addf %add3A_494, %select_n3A_508 : vector<1024x128xf32>
    %reduce_sum3A_510 = arith.constant dense<0.000000e+00> : vector<1024xf32>
    %reduce_sum3A_511 = vector.multi_reduction <add>, %add3A_499, %reduce_sum3A_510 [1] : vector<1024x128xf32> to vector<1024xf32>
    %broadcast_in_dim3A_512 = vector.shape_cast %reduce_sum3A_511 : vector<1024xf32> to vector<1024x1xf32>
    %log3A = math.log %broadcast_in_dim3A_512 : vector<1024x1xf32>
    %add3A_513 = arith.addf %broadcast_in_dim3A, %log3A : vector<1024x1xf32>
    %reduce_sum3A_514 = arith.constant dense<0.000000e+00> : vector<1024xf32>
    %reduce_sum3A_515 = vector.multi_reduction <add>, %add3A_509, %reduce_sum3A_514 [1] : vector<1024x128xf32> to vector<1024xf32>
    %broadcast_in_dim3A_516 = vector.shape_cast %reduce_sum3A_515 : vector<1024xf32> to vector<1024x1xf32>
    %population_count3A = math.ctpop %get3A_4 : vector<1024x128xi32>
    %reduce_sum3A_517 = arith.constant dense<0> : vector<1024xi32>
    %reduce_sum3A_518 = vector.multi_reduction <add>, %population_count3A, %reduce_sum3A_517 [1] : vector<1024x128xi32> to vector<1024xi32>
    %broadcast_in_dim3A_519 = vector.shape_cast %reduce_sum3A_518 : vector<1024xi32> to vector<1024x1xi32>
    %convert_element_type3A_520 = arith.sitofp %broadcast_in_dim3A_519 : vector<1024x1xi32> to vector<1024x1xf32>
    %mul3A = arith.constant 2.000000e-02 : f32
    %mul3A_521 = vector.broadcast %mul3A : f32 to vector<1024x1xf32>
    %mul3A_522 = arith.mulf %mul3A_521, %convert_element_type3A : vector<1024x1xf32>
    %sub3A_523 = arith.constant 9.100000e-01 : f32
    %sub3A_524 = vector.broadcast %sub3A_523 : f32 to vector<1024x1xf32>
    %sub3A_525 = arith.subf %sub3A_524, %mul3A_522 : vector<1024x1xf32>
    %neg3A = arith.constant 0.000000e+00 : f32
    %neg3A_526 = vector.broadcast %neg3A : f32 to vector<1024x1xf32>
    %neg3A_527 = arith.subf %neg3A_526, %sub3A_525 : vector<1024x1xf32>
    %sub3A_528 = arith.subf %broadcast_in_dim3A_14, %add3A_513 : vector<1024x1xf32>
    %mul3A_529 = arith.mulf %neg3A_527, %sub3A_528 : vector<1024x1xf32>
    %mul3A_530 = arith.mulf %convert_element_type3A_520, %add3A_513 : vector<1024x1xf32>
    %sub3A_531 = arith.subf %broadcast_in_dim3A_516, %mul3A_530 : vector<1024x1xf32>
    %mul3A_532 = arith.constant 0.00999999977 : f32
    %mul3A_533 = vector.broadcast %mul3A_532 : f32 to vector<1024x1xf32>
    %mul3A_534 = arith.mulf %mul3A_533, %sub3A_531 : vector<1024x1xf32>
    %sub3A_535 = arith.subf %mul3A_529, %mul3A_534 : vector<1024x1xf32>
    %reduce_sum3A_536 = vector.shape_cast %sub3A_535 : vector<1024x1xf32> to vector<1x1024x1xf32>
    %reduce_sum3A_537 = arith.constant dense<0.000000e+00> : vector<1xf32>
    %reduce_sum3A_538 = vector.multi_reduction <add>, %reduce_sum3A_536, %reduce_sum3A_537 [1, 2] : vector<1x1024x1xf32> to vector<1xf32>
    %reduce_sum3A_539 = vector.shape_cast %reduce_sum3A_538 : vector<1xf32> to vector<1x1x1xf32>
    %reduce_sum3A_540 = vector.extract %reduce_sum3A_539[0, 0, 0] : f32 from vector<1x1x1xf32>
    %eq3A_541 = arith.constant 0 : i32
    %eq3A_542 = arith.cmpi eq, %arg0, %eq3A_541 : i32
    %convert_element_type3A_543 = arith.extui %eq3A_542 : i1 to i32
    %cond3A = arith.constant 0 : i32
    %cond3A_544 = arith.cmpi ne, %convert_element_type3A_543, %cond3A : i32
    scf.if %cond3A_544 {
      %broadcast_in_dim3A_552 = arith.constant 0.000000e+00 : f32
      %broadcast_in_dim3A_553 = vector.broadcast %broadcast_in_dim3A_552 : f32 to vector<1x1xf32>
      %swap3A_554 = arith.constant 0 : index
      %swap3A_555 = arith.constant 0 : index
      %swap3A_556 = vector.load %arg4[%swap3A_554, %swap3A_555] : memref<1x1xf32, #tpu.memory_space<vmem>>, vector<1x1xf32>
      tpu.vector_store %arg4[%swap3A_554, %swap3A_555], %broadcast_in_dim3A_553 {strides = array<i32>} : memref<1x1xf32, #tpu.memory_space<vmem>>, vector<1x1xf32>,
    } else {
    }
    %get3A_545 = arith.constant 0 : index
    %get3A_546 = arith.constant 0 : index
    %get3A_547 = vector.load %arg4[%get3A_545, %get3A_546] : memref<1x1xf32, #tpu.memory_space<vmem>>, vector<1x1xf32>
    %add3A_548 = vector.broadcast %reduce_sum3A_540 : f32 to vector<1x1xf32>
    %add3A_549 = arith.addf %get3A_547, %add3A_548 : vector<1x1xf32>
    %swap3A = arith.constant 0 : index
    %swap3A_550 = arith.constant 0 : index
    %swap3A_551 = vector.load %arg4[%swap3A, %swap3A_550] : memref<1x1xf32, #tpu.memory_space<vmem>>, vector<1x1xf32>
    tpu.vector_store %arg4[%swap3A, %swap3A_550], %add3A_549 {strides = array<i32>} : memref<1x1xf32, #tpu.memory_space<vmem>>, vector<1x1xf32>,
    return
  }
  func.func @transform_0(%arg0: i32) -> (i32, i32) {
    %c0_i32 = arith.constant 0 : i32
    %c0_i32_0 = arith.constant 0 : i32
    return %arg0, %c0_i32 : i32, i32
  }
  func.func @transform_1(%arg0: i32) -> (i32, i32, i32) {
    %c0_i32 = arith.constant 0 : i32
    %c0_i32_0 = arith.constant 0 : i32
    %c0_i32_1 = arith.constant 0 : i32
    return %arg0, %c0_i32, %c0_i32_0 : i32, i32, i32
  }
  func.func @transform_2(%arg0: i32) -> (i32, i32) {
    %c0_i32 = arith.constant 0 : i32
    %c0_i32_0 = arith.constant 0 : i32
    return %arg0, %c0_i32 : i32, i32
  }
  func.func @transform_3(%arg0: i32) -> (i32, i32) {
    %c0_i32 = arith.constant 0 : i32
    %c0_i32_0 = arith.constant 0 : i32
    %c0_i32_1 = arith.constant 0 : i32
    return %c0_i32, %c0_i32_0 : i32, i32
  }
}

</mosaic_0001>

<sc_bundles>
// kernel: kernel.5.cloned.1.call-start
scs
__scs_entry_jumppad:
0x0: {  	(pc) =	sbr.rel $0x88, $3  }
0x1: {  	(tag) =	ssettag $0x0;
	lr =	simm.s32 $0x1  }
0x2: {  	[smem:$0x3F9E] =	sst lr;
	_ =	strace $0xD0000000  }
0x3: {  	_ = 	snop  }
0x4: {  	_ = 	snop  }
0x5: {  	_ = 	snop  }
0x6: {  	_ = 	snop  }
0x7: {  	_ = 	snop  }
__scs_overlays_trampoline_lowered:
0x8: {  	[smem:$0x3FAD] =	sst s0  }
0x9: {  	[smem:$0x3FAE] =	sst s1  }
0xa: {  	[smem:$0x3FAF] =	sst s2  }
0xb: {  	[smem:$0x3FB0] =	sst s3  }
0xc: {  	[smem:$0x3FB1] =	sst s4  }
0xd: {  	[smem:$0x3FB2] =	sst s5  }
0xe: {  	[smem:$0x3FB3] =	sst s6  }
0xf: {  	[smem:$0x3FB4] =	sst s7  }
0x10: {  	[smem:$0x3FB5] =	sst s8  }
0x11: {  	[smem:$0x3FB6] =	sst s9;
	s0 =	simm.s32 @!p0 $0x0  }
0x12: {  	s1 =	sld [smem:$0x3F9C];
	s0 =	simm.s32 @p0 $0x1  }
0x13: {  	[smem:$0x3FB7] =	sst s0;
	s0 =	simm.s32 @!p1 $0x0  }
0x14: {  	s2 =	sld [smem:$0x3F9B];
	s0 =	simm.s32 @p1 $0x1  }
0x15: {  	[smem:$0x3FB8] =	sst s0;
	s0 =	simm.s32 @!p2 $0x0  }
0x16: {  	s3 =	sld [smem:$0x3FDB];
	s0 =	simm.s32 @p2 $0x1  }
0x17: {  	s4 =	simm.s32 $0x1BF5;
	[smem:$0x3FBA] =	sst s0  }
0x18: {  	s0 =	sld [smem:$0x3F9D];
	_ =	swait.ge [sflag:s4], $0x0  }
0x19: {  	s7 =	sld [smem:$0x3F9E]  }
0x1a: {  	s8 =	sadd.s32 $0xFFFFE003, lr  }
0x1b: {  	s9 =	sadd.s32 $0xFFFFFEF7, lr;
	s5 =	simm.s32 $0xFFFFFFFF;
	p2 =	slt.u32 s8, $0xFFFFF086  }
0x1c: {  	p1 =	slt.u32 s9, $0xF7A;
	s5 =	simm.s32 @!p2 $0x0  }
0x1d: {  	s5 =	simm.s32 @p1 $0x1;
	p0 =	seq.s32 s7, s2  }
0x1e: {  	s7 =	smul.u32 @!p0 $0xF7A, s2;
	p2 =	seq.s32 @!p0 s5, $0x0  }
0x1f: {  	s9 =	smul.u32 $0xF7A, s1;
	s8 =	simm.s32 @!p0 $0x1BF5;
	p2 =	por !p2, p0  }
0x20: {  	[sflag:s8] =	ssyncset.s32 @!p0 $0xFFFFF086;
	s6 =	sadd.s32 @!p0 s3, s7;
	s7 =	simm.s32 @!p0 $0x108  }
0x21: {  	s3 =	sadd.s32 s3, s9;
	s6 =	sadd.s32 @!p0 $0x88, s6;
	s7 =	simm.s32 @p2 $0x1082  }
0x22: {  	[simem:s7], [sflag:s8] =	dma.local @!p0 [hbm:s6], $0xF7A  }
0x23: {  	s9 =	sor.u32 $0xD0000000, s2;
	s6 =	simm.s32 $0x108;
	_ =	swait.ge @!p0 [sflag:s8], $0x0  }
0x24: {  	s3 =	sadd.s32 $0x88, s3;
	s6 =	simm.s32 @!p1 $0x1082;
	[sflag:s4] =	ssyncset.s32 $0xFFFFF086  }
0x25: {  	[simem:s6], [sflag:s4] =	dma.local [hbm:s3], $0xF7A  }
0x26: {  	[smem:$0x3F9E] =	sst s1;
	(tag) =	ssettag s2;
	_ =	strace s9  }
0x27: {  	s1 =	sld [smem:$0x3FAE]  }
0x28: {  	s2 =	sld [smem:$0x3FAF]  }
0x29: {  	s4 =	sld [smem:$0x3FB1]  }
0x2a: {  	p0 =	seq.s32 s5, $0x0;
	s5 =	sld [smem:$0x3FB2]  }
0x2b: {  	s6 =	sld [smem:$0x3FB3]  }
0x2c: {  	s7 =	sld [smem:$0x3FB4]  }
0x2d: {  	s3 =	simm.s32 $0x108;
	s8 =	sld [smem:$0x3FB5]  }
0x2e: {  	s3 =	simm.s32 @!p0 $0x1082;
	s9 =	sld [smem:$0x3FB6]  }
0x2f: {  	lr =	sadd.s32 s0, s3;
	s0 =	sld [smem:$0x3FAD]  }
0x30: {  	s3 =	sld [smem:$0x3FB0]  }
0x31: {  	[smem:$0x3FB9] =	sst s10  }
0x32: {  	s10 =	sld [smem:$0x3FB7];
	_ =	sdelay $0x3  }
0x33: {  	p0 =	seq.s32 s10, $0x1;
	s10 =	sld [smem:$0x3FB9];
	_ =	sdelay $0x3  }
0x34: {  	[smem:$0x3FB9] =	sst s10  }
0x35: {  	s10 =	sld [smem:$0x3FB8];
	_ =	sdelay $0x3  }
0x36: {  	p1 =	seq.s32 s10, $0x1;
	s10 =	sld [smem:$0x3FB9];
	_ =	sdelay $0x3  }
0x37: {  	[smem:$0x3FB9] =	sst s10  }
0x38: {  	s10 =	sld [smem:$0x3FBA]  }
0x39: {  	_ = 	snop;
	(pc) =	sbr.ind lr, $3  }
0x3a: {  	_ = 	snop  }
0x3b: {  	_ = 	snop  }
0x3c: {  	p2 =	seq.s32 s10, $0x1;
	s10 =	sld [smem:$0x3FB9]  }
0x3d: {  	_ =	shalt  }
0x3e: {  	_ =	shalt  }
0x3f: {  	_ =	shalt  }
0x40: {  	_ =	shalt  }
0x41: {  	_ =	shalt  }
0x42: {  	_ =	shalt  }
0x43: {  	_ =	shalt  }
0x44: {  	_ =	shalt  }
0x45: {  	_ =	shalt  }
0x46: {  	_ =	shalt  }
0x47: {  	_ =	shalt  }
0x48: {  	_ =	shalt  }
0x49: {  	_ =	shalt  }
0x4a: {  	_ =	shalt  }
0x4b: {  	_ =	shalt  }
0x4c: {  	_ =	shalt  }
0x4d: {  	_ =	shalt  }
0x4e: {  	_ =	shalt  }
0x4f: {  	_ =	shalt  }
0x50: {  	_ =	shalt  }
0x51: {  	_ =	shalt  }
0x52: {  	_ =	shalt  }
0x53: {  	_ =	shalt  }
0x54: {  	_ =	shalt  }
0x55: {  	_ =	shalt  }
0x56: {  	_ =	shalt  }
0x57: {  	_ =	shalt  }
0x58: {  	_ =	shalt  }
0x59: {  	_ =	shalt  }
0x5a: {  	_ =	shalt  }
0x5b: {  	_ =	shalt  }
0x5c: {  	_ =	shalt  }
0x5d: {  	_ =	shalt  }
0x5e: {  	_ =	shalt  }
0x5f: {  	_ =	shalt  }
0x60: {  	_ =	shalt  }
0x61: {  	_ =	shalt  }
0x62: {  	_ =	shalt  }
0x63: {  	_ =	shalt  }
0x64: {  	_ =	shalt  }
0x65: {  	_ =	shalt  }
0x66: {  	_ =	shalt  }
0x67: {  	_ =	shalt  }
0x68: {  	_ =	shalt  }
0x69: {  	_ =	shalt  }
0x6a: {  	_ =	shalt  }
0x6b: {  	_ =	shalt  }
0x6c: {  	_ =	shalt  }
0x6d: {  	_ =	shalt  }
0x6e: {  	_ =	shalt  }
0x6f: {  	_ =	shalt  }
0x70: {  	_ =	shalt  }
0x71: {  	_ =	shalt  }
0x72: {  	_ =	shalt  }
0x73: {  	_ =	shalt  }
0x74: {  	_ =	shalt  }
0x75: {  	_ =	shalt  }
0x76: {  	_ =	shalt  }
0x77: {  	_ =	shalt  }
0x78: {  	_ =	shalt  }
0x79: {  	_ =	shalt  }
0x7a: {  	_ =	shalt  }
0x7b: {  	_ =	shalt  }
0x7c: {  	_ =	shalt  }
0x7d: {  	_ =	shalt  }
0x7e: {  	_ =	shalt  }
0x7f: {  	_ =	shalt  }
0x80: {  	_ =	shalt  }
0x81: {  	_ =	shalt  }
0x82: {  	_ =	shalt  }
0x83: {  	_ =	shalt  }
0x84: {  	_ =	shalt  }
0x85: {  	_ =	shalt  }
0x86: {  	_ =	shalt  }
0x87: {  	_ =	shalt  }
.Lfunc_end0:
.L_simem_size_0:
called_computation_lowered:
.L_overlay_start_0:
0x88: {  	s2 =	sld [smem:$0x3FD9]  }
0x89: {  	s3 =	sld [smem:$0x3FFE];
	_ =	sdelay $0x1  }
0x8a: {  	s1 =	srdreg.scid  }
0x8b: {  	s0 =	sand.u32 $0x1, s1  }
0x8c: {  	s17 =	sshll.u32 s0, $0xA;
	s2 =	sadd.s32 s3, s2  }
0x8d: {  	s2 =	sadd.s32 s2, s17  }
0x8e: {  	[smem:$0x3FC5] =	sst s2  }
0x8f: {  	_ = 	snop  }
0x90: {  	s2 =	sld [smem:$0x3FC8];
	(tm) =	ssettm $0x1  }
0x91: {  	s18 =	sld [smem:$0x3FFB];
	_ =	sdelay $0x3  }
0x92: {  	_ =	strace s18  }
0x93: {  	s3 =	sld [smem:$0x3FFC];
	_ =	sdelay $0x3  }
0x94: {  	_ =	strace s3  }
0x95: {  	s3 =	sld [smem:$0x3FFD];
	_ =	sdelay $0x3  }
0x96: {  	_ =	strace s3  }
0x97: {  	_ =	strace $0x8FFFFFFF  }
0x98: {  	s19 =	sld [smem:$0x3FDB];
	_ =	sdelay $0x1  }
0x99: {  	s4 =	simm.s32 $_scs_section_size  }
0x9a: {  	s5 =	simm.s32 $_size__tile_overlayer_lowered;
	s6 =	simm.s32 $_tile_overlayer_lowered  }
0x9b: {  	s22 =	simm.s32 $0x1BFF;
	s21 =	sshll.u32 s6, $0x1;
	s3 =	sadd.s32 s4, s19  }
0x9c: {  	s7 =	simm.s32 $0x0;
	s20 =	sshll.u32 s5, $0x1;
	s5 =	sadd.s32 s21, s3  }
0x9d: {  	[timem:s7], [sflag:s22] =	dma.local [hbm:s5], s20  }
0x9e: {  	_ =	swait.ge [sflag:s22], s20  }
0x9f: {  	s4 =	ssub.s32 $0x0, s20;
	[sflag:s22] =	ssyncset.done $0x0  }
0xa0: {  	[sflag:s22] =	ssyncadd.s32 s4;
	_ =	sdelay $0x1  }
0xa1: {  	s23 =	simm.s32 $0x1B8B  }
0xa2: {  	_ =	swait.ge [sflag:s23], $0x1  }
0xa3: {  	[sflag:s23] =	ssyncset.done $0x0  }
0xa4: {  	s25 =	simm.s32 $0x1B8E;
	s24 =	sld [smem:$0x3FFE];
	[sflag:s23] =	ssyncadd.s32 $0xFFFFFFFF  }
0xa5: {  	s26 =	simm.s32 $execute0_lowered;
	[smem:$0x3FD2] =	sst s25  }
0xa6: {  	s5 =	sshll.u32 s26, $0x1;
	_ =	strace $0x80000046;
	[dreg:$0x1] =	wrdreg $0xFFFFFFFF  }
0xa7: {  	s28 =	simm.s32 $_size_execute0_lowered;
	s3 =	sadd.s32 s3, s5;
	[dreg:$0x0] =	wrdreg $0x0  }
0xa8: {  	s5 =	sshll.u32 s28, $0x1;
	[dreg:$0x2] =	wrdreg s3  }
0xa9: {  	[dreg:$0x3] =	wrdreg s5  }
0xaa: {  	[dreg:$0x4] =	wrdreg $0xC0  }
0xab: {  	_ =	task [dreg:s7], $0x5FFFF  }
0xac: {  	[dreg:$0x1] =	wrdreg $0xFFFFFFFF  }
0xad: {  	[dreg:$0x0] =	wrdreg $0x60  }
0xae: {  	[dreg:$0x2] =	wrdreg s24  }
0xaf: {  	[dreg:$0x3] =	wrdreg s2  }
0xb0: {  	[dreg:$0x4] =	wrdreg $0x9  }
0xb1: {  	_ =	task.clear_ibuf [dreg:s7], $0x5FFFF;
	_ =	strace $0x90000046  }
0xb2: {  	s29 =	simm.s32 $0x9;
	_ =	strace $0x80000048  }
0xb3: {  	_ =	swait.ge [sflag:s29], $0x1  }
0xb4: {  	[sflag:s29] =	ssyncadd.s32 $0xFFFFFFFF  }
0xb5: {  	_ =	strace $0x90000048  }
0xb6: {  	_ =	sfence  }
0xb7: {  	s30 =	sld [smem:$0x0];
	_ =	sdelay $0x2  }
0xb8: {  	s31 =	sshll.u32 s1, $0xD;
	s1 =	sshrl.u32 s1, $0x2  }
0xb9: {  	s3 =	sand.u32 $0x4000, s31;
	s1 =	sadd.s32 s1, s30  }
0xba: {  	s0 =	sor.u32 s3, s0;
	s1 =	sshll.u32 s1, $0x11  }
0xbb: {  	s0 =	sor.u32 s1, s0  }
0xbc: {  	s0 =	sadd.s32 $0x8F2B, s0  }
0xbd: {  	[sflag:s0] =	ssyncadd.remote.s32 $0x1  }
0xbe: {  	_ =	sfence.sel $0xFFFF  }
0xbf: {  	[dreg:$0x0] =	wrdreg $0xFFFFFFFF;
	(pc) =	sbr.abs _section_cstart, $3  }
0xc0: {  	[dreg:$0x1] =	wrdreg $0xFFFFFFFF  }
0xc1: {  	_ =	task.clear_ibuf [dreg:s7], $0x2FFFF;
	_ =	strace $0x9FFFFFFF  }
0xc2: {  	(tm) =	ssettm $0x7FFFFFFF  }
0xc3: {  	_ =	shalt  }
tec
execute0_lowered:
.L_overlay_start_1:
0x0: {  	(tag) =	ssettag $0x1  }
0x1: {  	s1 =	srdreg.scid  }
0x2: {  	s8 =	rddreg [dreg:$0x0];
	s0 =	stileid.u32;
	s14 =	sand.u32 $0x1, s1  }
0x3: {  	s13 =	rddreg [dreg:$0x1];
	s3 =	sshll.u32 s0, $0xA;
	s4 =	sshll.u32 s14, $0x9  }
0x4: {  	s2 =	simm.s32 $0x0;
	s1 =	rddreg [dreg:$0x2];
	s15 =	sor.u32 s4, s3  }
0x5: {  	[smem:$0x7FF] =	sst s2;
	s3 =	sshrl.u32 s15, $0x3  }
0x6: {  	_ =	strace $0x80000047;
	s4 =	sadd.s32 s13, s3;
	s3 =	simm.s32 $0x2  }
0x7: {  	[tilespmem:s2], [sflag:$0x2] =	stream.linear.gather [hbm4b:s4+s2], $0x80, $0x38;
	[tilespmem:$0x4080] =	vst v63  }
0x8: {  	_ =	swait.ge [sflag:s3], $0x80  }
0x9: {  	s6 =	simm.s32 $0x80;
	[sflag:s3] =	ssyncset.done $0x0  }
0xa: {  	s7 =	simm.s32 $0x1;
	s5 =	sadd.s32 $0x800, s8;
	[sflag:s3] =	ssyncadd.s32 $0xFFFFFF80  }
0xb: {  	[tilespmem:s6], [sflag:$0x1] =	stream.indirect.gather [hbm4b:s5+s6], $0x80, s2, s6, $0xb8;
	[tilespmem:$0x4080] =	vst v63  }
0xc: {  	_ =	swait.ge [sflag:s7], $0x4000  }
0xd: {  	s16 =	sadd.s32 $0x10800, s8;
	s28 =	sshll.u32 s15, $0x4;
	[sflag:s7] =	ssyncset.done $0x0  }
0xe: {  	s8 =	sadd.s32 s16, s28;
	[sflag:s7] =	ssyncadd.s32 $0xFFFFC000  }
0xf: {  	[hbm4b:s8+s2] =	stream.linear.scatter [tilespmem:s6], [sflag:$0x2], $0x4000, $0x38;
	[tilespmem:$0x4080] =	vst v63  }
0x10: {  	s10 =	sor.u32 $0x80, s15;
	_ =	swait.ge [sflag:s3], $0x4000  }
0x11: {  	s9 =	sshrl.u32 s10, $0x3;
	[sflag:s3] =	ssyncset.done $0x0  }
0x12: {  	s9 =	sadd.s32 s13, s9;
	[sflag:s3] =	ssyncadd.s32 $0xFFFFC000  }
0x13: {  	[tilespmem:s2], [sflag:$0x2] =	stream.linear.gather [hbm4b:s9+s2], $0x80, $0x38;
	[tilespmem:$0x4080] =	vst v63  }
0x14: {  	_ =	swait.ge [sflag:s3], $0x80  }
0x15: {  	[sflag:s3] =	ssyncset.done $0x0  }
0x16: {  	[sflag:s3] =	ssyncadd.s32 $0xFFFFFF80  }
0x17: {  	[tilespmem:s6], [sflag:$0x1] =	stream.indirect.gather [hbm4b:s5+s6], $0x80, s2, s6, $0xb8;
	[tilespmem:$0x4080] =	vst v63  }
0x18: {  	_ =	swait.ge [sflag:s7], $0x4000  }
0x19: {  	s10 =	sshll.u32 s10, $0x4;
	[sflag:s7] =	ssyncset.done $0x0  }
0x1a: {  	s10 =	sadd.s32 s16, s10;
	[sflag:s7] =	ssyncadd.s32 $0xFFFFC000  }
0x1b: {  	[hbm4b:s10+s2] =	stream.linear.scatter [tilespmem:s6], [sflag:$0x2], $0x4000, $0x38;
	[tilespmem:$0x4080] =	vst v63  }
0x1c: {  	s12 =	sor.u32 $0x100, s15;
	_ =	swait.ge [sflag:s3], $0x4000  }
0x1d: {  	s11 =	sshrl.u32 s12, $0x3;
	[sflag:s3] =	ssyncset.done $0x0  }
0x1e: {  	s11 =	sadd.s32 s13, s11;
	[sflag:s3] =	ssyncadd.s32 $0xFFFFC000  }
0x1f: {  	[tilespmem:s2], [sflag:$0x2] =	stream.linear.gather [hbm4b:s11+s2], $0x80, $0x38;
	[tilespmem:$0x4080] =	vst v63  }
0x20: {  	_ =	swait.ge [sflag:s3], $0x80  }
0x21: {  	[sflag:s3] =	ssyncset.done $0x0  }
0x22: {  	[sflag:s3] =	ssyncadd.s32 $0xFFFFFF80  }
0x23: {  	[tilespmem:s6], [sflag:$0x1] =	stream.indirect.gather [hbm4b:s5+s6], $0x80, s2, s6, $0xb8;
	[tilespmem:$0x4080] =	vst v63  }
0x24: {  	_ =	swait.ge [sflag:s7], $0x4000  }
0x25: {  	s12 =	sshll.u32 s12, $0x4;
	[sflag:s7] =	ssyncset.done $0x0  }
0x26: {  	s12 =	sadd.s32 s16, s12;
	[sflag:s7] =	ssyncadd.s32 $0xFFFFC000  }
0x27: {  	[hbm4b:s12+s2] =	stream.linear.scatter [tilespmem:s6], [sflag:$0x2], $0x4000, $0x38;
	[tilespmem:$0x4080] =	vst v63  }
0x28: {  	s15 =	sor.u32 $0x180, s15;
	_ =	swait.ge [sflag:s3], $0x4000  }
0x29: {  	s17 =	sshrl.u32 s15, $0x3;
	[sflag:s3] =	ssyncset.done $0x0  }
0x2a: {  	s14 =	ssub.s32 $0x2, s14;
	s13 =	sadd.s32 s13, s17;
	[sflag:s3] =	ssyncadd.s32 $0xFFFFC000  }
0x2b: {  	[tilespmem:s2], [sflag:$0x2] =	stream.linear.gather [hbm4b:s13+s2], $0x80, $0x38;
	[tilespmem:$0x4080] =	vst v63  }
0x2c: {  	s29 =	sshrl.u32 s14, $0x1;
	_ =	swait.ge [sflag:s3], $0x80  }
0x2d: {  	s17 =	ssub.s32 s14, s29;
	[sflag:s3] =	ssyncset.done $0x0  }
0x2e: {  	s31 =	smax.u32 s17, $0x1;
	[sflag:s3] =	ssyncadd.s32 $0xFFFFFF80  }
0x2f: {  	[tilespmem:s6], [sflag:$0x1] =	stream.indirect.gather [hbm4b:s5+s6], $0x80, s2, s6, $0xb8;
	[tilespmem:$0x4080] =	vst v63  }
0x30: {  	p0 =	sne.s32 s31, $0x1;
	_ =	swait.ge [sflag:s7], $0x4000  }
.Ltmp0:
0x31: {  	s30 =	sshll.u32 s15, $0x4;
	[sflag:s7] =	ssyncset.done $0x0;
	(pc) =	sbr.rel @!p0 .LBB2_2-.Ltmp0, $4  }
0x32: {  	s14 =	sadd.s32 s16, s30;
	[sflag:s7] =	ssyncadd.s32 $0xFFFFC000  }
0x33: {  	[hbm4b:s14+s2] =	stream.linear.scatter [tilespmem:s6], [sflag:$0x2], $0x4000, $0x38;
	[tilespmem:$0x4080] =	vst v63  }
0x34: {  	_ =	swait.ge [sflag:s3], $0x4000  }
0x35: {  	s15 =	sadd.s32 $0xFFFFFFFF, s31;
	[sflag:s3] =	ssyncset.done $0x0  }
.LBB2_1:
0x36: {  	p0 =	sne.s32 s15, $0x1;
	s15 =	sadd.s32 $0xFFFFFFFF, s15;
	[sflag:s3] =	ssyncadd.s32 $0xFFFFC000  }
0x37: {  	[tilespmem:s2], [sflag:$0x2] =	stream.linear.gather [hbm4b:s4+s2], $0x80, $0x38;
	[tilespmem:$0x4080] =	vst v63  }
0x38: {  	_ =	swait.ge [sflag:s3], $0x80  }
0x39: {  	[sflag:s3] =	ssyncset.done $0x0  }
0x3a: {  	[sflag:s3] =	ssyncadd.s32 $0xFFFFFF80  }
0x3b: {  	[tilespmem:s6], [sflag:$0x1] =	stream.indirect.gather [hbm4b:s5+s6], $0x80, s2, s6, $0xb8;
	[tilespmem:$0x4080] =	vst v63  }
0x3c: {  	_ =	swait.ge [sflag:s7], $0x4000  }
0x3d: {  	[sflag:s7] =	ssyncset.done $0x0  }
0x3e: {  	[sflag:s7] =	ssyncadd.s32 $0xFFFFC000  }
0x3f: {  	[hbm4b:s8+s2] =	stream.linear.scatter [tilespmem:s6], [sflag:$0x2], $0x4000, $0x38;
	[tilespmem:$0x4080] =	vst v63  }
0x40: {  	_ =	swait.ge [sflag:s3], $0x4000  }
0x41: {  	[sflag:s3] =	ssyncset.done $0x0  }
0x42: {  	[sflag:s3] =	ssyncadd.s32 $0xFFFFC000  }
0x43: {  	[tilespmem:s2], [sflag:$0x2] =	stream.linear.gather [hbm4b:s9+s2], $0x80, $0x38;
	[tilespmem:$0x4080] =	vst v63  }
0x44: {  	_ =	swait.ge [sflag:s3], $0x80  }
0x45: {  	[sflag:s3] =	ssyncset.done $0x0  }
0x46: {  	[sflag:s3] =	ssyncadd.s32 $0xFFFFFF80  }
0x47: {  	[tilespmem:s6], [sflag:$0x1] =	stream.indirect.gather [hbm4b:s5+s6], $0x80, s2, s6, $0xb8;
	[tilespmem:$0x4080] =	vst v63  }
0x48: {  	_ =	swait.ge [sflag:s7], $0x4000  }
0x49: {  	[sflag:s7] =	ssyncset.done $0x0  }
0x4a: {  	[sflag:s7] =	ssyncadd.s32 $0xFFFFC000  }
0x4b: {  	[hbm4b:s10+s2] =	stream.linear.scatter [tilespmem:s6], [sflag:$0x2], $0x4000, $0x38;
	[tilespmem:$0x4080] =	vst v63  }
0x4c: {  	_ =	swait.ge [sflag:s3], $0x4000  }
0x4d: {  	[sflag:s3] =	ssyncset.done $0x0  }
0x4e: {  	[sflag:s3] =	ssyncadd.s32 $0xFFFFC000  }
0x4f: {  	[tilespmem:s2], [sflag:$0x2] =	stream.linear.gather [hbm4b:s11+s2], $0x80, $0x38;
	[tilespmem:$0x4080] =	vst v63  }
0x50: {  	_ =	swait.ge [sflag:s3], $0x80  }
0x51: {  	[sflag:s3] =	ssyncset.done $0x0  }
0x52: {  	[sflag:s3] =	ssyncadd.s32 $0xFFFFFF80  }
0x53: {  	[tilespmem:s6], [sflag:$0x1] =	stream.indirect.gather [hbm4b:s5+s6], $0x80, s2, s6, $0xb8;
	[tilespmem:$0x4080] =	vst v63  }
0x54: {  	_ =	swait.ge [sflag:s7], $0x4000  }
0x55: {  	[sflag:s7] =	ssyncset.done $0x0  }
0x56: {  	[sflag:s7] =	ssyncadd.s32 $0xFFFFC000  }
0x57: {  	[hbm4b:s12+s2] =	stream.linear.scatter [tilespmem:s6], [sflag:$0x2], $0x4000, $0x38;
	[tilespmem:$0x4080] =	vst v63  }
0x58: {  	_ =	swait.ge [sflag:s3], $0x4000  }
0x59: {  	[sflag:s3] =	ssyncset.done $0x0  }
0x5a: {  	[sflag:s3] =	ssyncadd.s32 $0xFFFFC000  }
0x5b: {  	[tilespmem:s2], [sflag:$0x2] =	stream.linear.gather [hbm4b:s13+s2], $0x80, $0x38;
	[tilespmem:$0x4080] =	vst v63  }
0x5c: {  	_ =	swait.ge [sflag:s3], $0x80  }
0x5d: {  	[sflag:s3] =	ssyncset.done $0x0  }
0x5e: {  	[sflag:s3] =	ssyncadd.s32 $0xFFFFFF80  }
0x5f: {  	[tilespmem:s6], [sflag:$0x1] =	stream.indirect.gather [hbm4b:s5+s6], $0x80, s2, s6, $0xb8;
	[tilespmem:$0x4080] =	vst v63  }
0x60: {  	_ =	swait.ge [sflag:s7], $0x4000  }
.Ltmp1:
0x61: {  	[sflag:s7] =	ssyncset.done $0x0;
	(pc) =	sbr.rel @p0 .LBB2_1-.Ltmp1, $4  }
0x62: {  	[sflag:s7] =	ssyncadd.s32 $0xFFFFC000  }
0x63: {  	[hbm4b:s14+s2] =	stream.linear.scatter [tilespmem:s6], [sflag:$0x2], $0x4000, $0x38;
	[tilespmem:$0x4080] =	vst v63  }
0x64: {  	_ =	swait.ge [sflag:s3], $0x4000  }
0x65: {  	[sflag:s3] =	ssyncset.done $0x0  }
.LBB2_2:
0x66: {  	[sflag:s3] =	ssyncadd.s32 $0xFFFFC000  }
0x67: {  	_ =	sfence.sel $0x180000  }
0x68: {  	[bflag:$0x0] =	sbarrier.arrive $0xFFFF  }
0x69: {  	p0 =	sne.s32 s0, $0x0;
	_ =	strace $0x90000047  }
0x6a: {  	s0 =	sadd.s32 @!p0 $0x100000, s1;
	[bflag:$0x2] =	sbarrier.arrive $0xFFFF  }
0x6b: {  	[sflag:s0] =	ssyncadd.tile.s32 @!p0 $0x1;
	_ =	shalt  }
.Lfunc_end2:
_tile_overlayer_lowered:
.L_overlay_start_2:
0x6c: {  	(tag) =	ssettag $0x2  }
0x6d: {  	s0 =	rddreg [dreg:$0x0];
	s2 =	stileid.u32  }
0x6e: {  	s1 =	rddreg [dreg:$0x1];
	p0 =	sne.s32 s2, $0x0  }
0x6f: {  	s3 =	rddreg [dreg:$0x2];
	[bflag:$0x3] =	sbarrier.arrive $0xFFFF;
	s2 =	simm.s32 @!p0 $0x1C02  }
0x70: {  	[timem:s3], [sflag:s2] =	dma.local @!p0 [hbm:s0], s1  }
0x71: {  	s0 =	simm.s32 @!p0 $0x2  }
0x72: {  	_ =	swait.ge @!p0 [sflag:s0], s1  }
0x73: {  	s1 =	ssub.s32 @!p0 $0x0, s1;
	[sflag:s0] =	ssyncset.done @!p0 $0x0  }
0x74: {  	[sflag:s0] =	ssyncadd.s32 @!p0 s1  }
0x75: {  	[bflag:$0x3] =	sbarrier.arrive $0xFFFF  }
0x76: {  	_ =	shalt  }

</sc_bundles>
